<compile_context>
chip_gen: v7x
topology: tpu7x:2x2x1
jax: 0.10.2.dev20260603
libtpu: 0.0.44.dev20260713+nightly
codegen_flags: <defaults>
</compile_context>

<pallas_src>
import jax
import jax.numpy as jnp
from jax.experimental import pallas as pl
from jax.experimental.pallas import tpu as pltpu

_EMB = 1024
_NPX = 16
_NPY = 16
_GBS = _NPX * _NPY
_PERIOD = _GBS + 1
_NBLK = 37
_MAXLEN = _NBLK * _PERIOD
_CHUNK = 8 * _PERIOD
_KCHUNKS = 4
_TAIL = _MAXLEN - _KCHUNKS * _CHUNK
_TAIL_PERIODS = _TAIL // _PERIOD
_BATCH = 4
_NBUF = 2


def _body(x_hbm, pos_hbm, row_hbm, col_hbm, out_hbm,
          xbuf, pbuf, obuf, xmini, pmini, omini_buf, gg, rowv, colv,
          xsem, psem, osem, ssem, msem):
    pltpu.make_async_copy(row_hbm, rowv, ssem).start()
    pltpu.make_async_copy(row_hbm, rowv, ssem).wait()
    pltpu.make_async_copy(col_hbm, colv, ssem).start()
    pltpu.make_async_copy(col_hbm, colv, ssem).wait()
    grid = (rowv[...][:, None, :] + colv[...][None, :, :]).reshape(_GBS, _EMB)
    gg[0:_GBS, :] = grid
    gg[_GBS:_PERIOD, :] = jnp.zeros((1, _EMB), jnp.float32)

    n_main = _KCHUNKS * _BATCH

    def row_start(k):
        return k * _CHUNK

    def x_copy(c, slot):
        b = c % _BATCH
        r0 = row_start(c // _BATCH)
        return pltpu.make_async_copy(
            x_hbm.at[b, pl.ds(r0, _CHUNK), :], xbuf.at[slot], xsem.at[slot])

    def pos_copy(k, pslot):
        return pltpu.make_async_copy(
            pos_hbm.at[pl.ds(row_start(k), _CHUNK), :], pbuf.at[pslot],
            psem.at[pslot])

    def out_copy(c, slot):
        b = c % _BATCH
        r0 = row_start(c // _BATCH)
        return pltpu.make_async_copy(
            obuf.at[slot], out_hbm.at[b, pl.ds(r0, _CHUNK), :], osem.at[slot])

    x_copy(0, 0).start()
    x_copy(1, 1).start()
    pos_copy(0, 0).start()
    pos_copy(1, 1).start()

    def main_step(c, _):
        slot = c % _NBUF
        k = c // _BATCH
        b = c % _BATCH
        x_copy(c, slot).wait()

        @pl.when(b == 0)
        def _():
            pos_copy(k, k % _NBUF).wait()

        @pl.when(c >= _NBUF)
        def _():
            out_copy(c - _NBUF, slot).wait()

        obuf[slot] = xbuf[slot] + pbuf[k % _NBUF]
        for p in range(_CHUNK // _PERIOD):
            obuf[slot, pl.ds(p * _PERIOD, _PERIOD), :] += gg[...]
        out_copy(c, slot).start()

        @pl.when(c + _NBUF < n_main)
        def _():
            x_copy(c + _NBUF, slot).start()

        @pl.when((b == _BATCH - 1) & (k + _NBUF < _KCHUNKS))
        def _():
            pos_copy(k + _NBUF, k % _NBUF).start()

        return _

    jax.lax.fori_loop(0, n_main, main_step, None)
    out_copy(n_main - 2, (n_main - 2) % _NBUF).wait()
    out_copy(n_main - 1, (n_main - 1) % _NBUF).wait()

    r0t = _KCHUNKS * _CHUNK
    t1 = _TAIL - (_TAIL % 8)
    r0m = r0t + t1
    t2 = _TAIL - t1
    omini = r0m % _PERIOD

    pltpu.make_async_copy(
        pos_hbm.at[pl.ds(r0m, t2), :], pmini, msem).start()
    for b in range(_BATCH):
        pltpu.make_async_copy(
            x_hbm.at[b, pl.ds(r0m, t2), :], xmini.at[b], msem).start()

    def xt_copy(b, slot):
        return pltpu.make_async_copy(
            x_hbm.at[b, pl.ds(r0t, t1), :],
            xbuf.at[slot, pl.ds(0, t1), :], xsem.at[slot])

    def ot_copy(b, slot):
        return pltpu.make_async_copy(
            obuf.at[slot, pl.ds(0, t1), :],
            out_hbm.at[b, pl.ds(r0t, t1), :], osem.at[slot])

    pt = pltpu.make_async_copy(
        pos_hbm.at[pl.ds(r0t, t1), :], pbuf.at[0, pl.ds(0, t1), :],
        psem.at[0])
    pt.start()
    xt_copy(0, 0).start()
    xt_copy(1, 1).start()
    pt.wait()

    def tail_step(b, _):
        slot = b % _NBUF
        xt_copy(b, slot).wait()

        @pl.when(b >= _NBUF)
        def _():
            ot_copy(b - _NBUF, slot).wait()

        obuf[slot, pl.ds(0, t1), :] = (
            xbuf[slot, pl.ds(0, t1), :] + pbuf[0, pl.ds(0, t1), :])
        for p in range(t1 // _PERIOD):
            obuf[slot, pl.ds(p * _PERIOD, _PERIOD), :] += gg[...]
        rem = t1 - (t1 // _PERIOD) * _PERIOD
        obuf[slot, pl.ds((t1 // _PERIOD) * _PERIOD, rem), :] += gg[0:rem, :]
        ot_copy(b, slot).start()

        @pl.when(b + _NBUF < _BATCH)
        def _():
            xt_copy(b + _NBUF, slot).start()

        return _

    jax.lax.fori_loop(0, _BATCH, tail_step, None)

    pltpu.make_async_copy(
        pos_hbm.at[pl.ds(r0m, t2), :], pmini, msem).wait()
    for b in range(_BATCH):
        pltpu.make_async_copy(
            x_hbm.at[b, pl.ds(r0m, t2), :], xmini.at[b], msem).wait()
    for b in range(_BATCH):
        omini_buf[b] = xmini[b] + pmini[...] + gg[pl.ds(omini, t2), :]
    for b in range(_BATCH):
        pltpu.make_async_copy(
            omini_buf.at[b], out_hbm.at[b, pl.ds(r0m, t2), :], msem).start()
    for b in range(_BATCH):
        pltpu.make_async_copy(
            omini_buf.at[b], out_hbm.at[b, pl.ds(r0m, t2), :], msem).wait()

    ot_copy(_BATCH - 2, (_BATCH - 2) % _NBUF).wait()
    ot_copy(_BATCH - 1, (_BATCH - 1) % _NBUF).wait()


def kernel(x, pos_embedding, row_embed, col_embed, positions):
    del positions
    pos2 = pos_embedding.reshape(_MAXLEN, _EMB)
    out = pl.pallas_call(
        _body,
        in_specs=[
            pl.BlockSpec(memory_space=pl.ANY),
            pl.BlockSpec(memory_space=pl.ANY),
            pl.BlockSpec(memory_space=pl.ANY),
            pl.BlockSpec(memory_space=pl.ANY),
        ],
        out_specs=pl.BlockSpec(memory_space=pl.ANY),
        out_shape=jax.ShapeDtypeStruct((_BATCH, _MAXLEN, _EMB), x.dtype),
        scratch_shapes=[
            pltpu.VMEM((_NBUF, _CHUNK, _EMB), jnp.float32),
            pltpu.VMEM((_NBUF, _CHUNK, _EMB), jnp.float32),
            pltpu.VMEM((_NBUF, _CHUNK, _EMB), jnp.float32),
            pltpu.VMEM((_BATCH, 5, _EMB), jnp.float32),
            pltpu.VMEM((5, _EMB), jnp.float32),
            pltpu.VMEM((_BATCH, 5, _EMB), jnp.float32),
            pltpu.VMEM((_PERIOD, _EMB), jnp.float32),
            pltpu.VMEM((_NPX, _EMB), jnp.float32),
            pltpu.VMEM((_NPY, _EMB), jnp.float32),
            pltpu.SemaphoreType.DMA((_NBUF,)),
            pltpu.SemaphoreType.DMA((_NBUF,)),
            pltpu.SemaphoreType.DMA((_NBUF,)),
            pltpu.SemaphoreType.DMA,
            pltpu.SemaphoreType.DMA,
        ],
        compiler_params=pltpu.CompilerParams(
            vmem_limit_bytes=100 * 1024 * 1024),
    )(x, pos2, row_embed, col_embed)
    return out

# --- scband reference (transcript-rebuilt; emitter-appended) ---
"""Pipeline reference for scband-learned-positional-encoding-combined-66383014527506 (READ-ONLY COPY).

The authoritative reference and input builder live on the scoring server;
editing this copy changes nothing except your own understanding.
"""

import jax, jax.numpy as jnp
import numpy as np

EMB = 1024
NPX = 16
NPY = 16
NSUP = 18
GBS = NPX * NPY
MAXLEN = NSUP * (2 * GBS + 2) + GBS + 1  # 9509
BATCH = 4


def _boundaries():
    b = []
    idx = 0
    for _ in range(NSUP):
        b.append((idx, idx + GBS))
        idx += GBS + 1
        b.append((idx, idx + GBS))
        idx += GBS + 1
    b.append((idx, idx + GBS))
    return b


def setup_inputs(seed: int = 0) -> dict:
    key = jax.random.key(seed)
    k1, k2, k3, k4 = jax.random.split(key, 4)
    x = jax.random.normal(k1, (BATCH, MAXLEN, EMB), dtype=jnp.float32)
    pos_embedding = jax.random.normal(k2, (1, MAXLEN, EMB), dtype=jnp.float32)
    row_embed = jax.random.normal(k3, (NPX, EMB), dtype=jnp.float32)
    col_embed = jax.random.normal(k4, (NPY, EMB), dtype=jnp.float32)
    bounds = _boundaries()
    positions = jnp.concatenate([jnp.arange(s, e, dtype=jnp.int32) for s, e in bounds])
    return {
        "x": x,
        "pos_embedding": pos_embedding,
        "row_embed": row_embed,
        "col_embed": col_embed,
        "positions": positions,
    }


def reference(x, pos_embedding, row_embed, col_embed, positions):
    seq_len = x.shape[1]
    # 1D learned positional encoding
    pos1d = pos_embedding[:, :seq_len, :]
    # 2D grid encoding: row_embed[rows] + col_embed[cols] in row-major order
    rows = jnp.repeat(jnp.arange(NPX), NPY)
    cols = jnp.tile(jnp.arange(NPY), NPX)
    grid_encoding = row_embed[rows] + col_embed[cols]  # [GBS, EMB] (gather)
    n_blocks = 2 * NSUP + 1
    tiled = jnp.tile(grid_encoding, (n_blocks, 1))  # [n_blocks*GBS, EMB]
    # scatter-overwrite grid encodings into the full sequence (separators stay zero)
    grid_encodings = jnp.zeros((MAXLEN, EMB), dtype=x.dtype).at[positions].set(tiled)
    pos2d = grid_encodings[None, :seq_len, :]
    # dropout p=0.0 -> identity (eval mode)
    return x + pos1d + pos2d

if __name__ == "__main__":
    import jax
    _d = setup_inputs()
    print(jax.jit(kernel)(*tuple(_d.values())))

</pallas_src>

<mosaic_0001>
module attributes {stable_mosaic.version = 14 : i64} {
  func.func @_body(%arg0: memref<4x9509x1024xf32, #tpu.memory_space<any>>, %arg1: memref<9509x1024xf32, #tpu.memory_space<any>>, %arg2: memref<16x1024xf32, #tpu.memory_space<any>>, %arg3: memref<16x1024xf32, #tpu.memory_space<any>>, %arg4: memref<4x9509x1024xf32, #tpu.memory_space<any>>, %arg5: memref<2x2056x1024xf32, #tpu.memory_space<vmem>>, %arg6: memref<2x2056x1024xf32, #tpu.memory_space<vmem>>, %arg7: memref<2x2056x1024xf32, #tpu.memory_space<vmem>>, %arg8: memref<4x5x1024xf32, #tpu.memory_space<vmem>>, %arg9: memref<5x1024xf32, #tpu.memory_space<vmem>>, %arg10: memref<4x5x1024xf32, #tpu.memory_space<vmem>>, %arg11: memref<257x1024xf32, #tpu.memory_space<vmem>>, %arg12: memref<16x1024xf32, #tpu.memory_space<vmem>>, %arg13: memref<16x1024xf32, #tpu.memory_space<vmem>>, %arg14: memref<2x!tpu.dma_semaphore, #tpu.memory_space<semaphore_mem>>, %arg15: memref<2x!tpu.dma_semaphore, #tpu.memory_space<semaphore_mem>>, %arg16: memref<2x!tpu.dma_semaphore, #tpu.memory_space<semaphore_mem>>, %arg17: memref<!tpu.dma_semaphore, #tpu.memory_space<semaphore_mem>>, %arg18: memref<!tpu.dma_semaphore, #tpu.memory_space<semaphore_mem>>) attributes {dimension_semantics = [], scalar_prefetch = 0 : i64, scratch_operands = 14 : i64, tpu.core_type = #tpu.core_type<tc>} {
    tpu.enqueue_dma source(%arg2 : memref<16x1024xf32, #tpu.memory_space<any>>) target(%arg12 : memref<16x1024xf32, #tpu.memory_space<vmem>>) target_semaphore(%arg17 : memref<!tpu.dma_semaphore, #tpu.memory_space<semaphore_mem>>)
    tpu.wait_dma2 semaphore(%arg17 : memref<!tpu.dma_semaphore, #tpu.memory_space<semaphore_mem>>) src(%arg2 : memref<16x1024xf32, #tpu.memory_space<any>>) dst(%arg12 : memref<16x1024xf32, #tpu.memory_space<vmem>>)
    tpu.enqueue_dma source(%arg3 : memref<16x1024xf32, #tpu.memory_space<any>>) target(%arg13 : memref<16x1024xf32, #tpu.memory_space<vmem>>) target_semaphore(%arg17 : memref<!tpu.dma_semaphore, #tpu.memory_space<semaphore_mem>>)
    tpu.wait_dma2 semaphore(%arg17 : memref<!tpu.dma_semaphore, #tpu.memory_space<semaphore_mem>>) src(%arg3 : memref<16x1024xf32, #tpu.memory_space<any>>) dst(%arg13 : memref<16x1024xf32, #tpu.memory_space<vmem>>)
    %get3A = arith.constant 0 : index
    %get3A_0 = arith.constant 0 : index
    %get3A_1 = vector.load %arg12[%get3A, %get3A_0] : memref<16x1024xf32, #tpu.memory_space<vmem>>, vector<16x1024xf32>
    %broadcast_in_dim3A = vector.shape_cast %get3A_1 : vector<16x1024xf32> to vector<16x1x1024xf32>
    %get3A_2 = arith.constant 0 : index
    %get3A_3 = arith.constant 0 : index
    %get3A_4 = vector.load %arg13[%get3A_2, %get3A_3] : memref<16x1024xf32, #tpu.memory_space<vmem>>, vector<16x1024xf32>
    %broadcast_in_dim3A_5 = vector.shape_cast %get3A_4 : vector<16x1024xf32> to vector<1x16x1024xf32>
    %add3A = vector.broadcast %broadcast_in_dim3A : vector<16x1x1024xf32> to vector<16x16x1024xf32>
    %add3A_6 = vector.broadcast %broadcast_in_dim3A_5 : vector<1x16x1024xf32> to vector<16x16x1024xf32>
    %add3A_7 = arith.addf %add3A, %add3A_6 : vector<16x16x1024xf32>
    %reshape3A = vector.shape_cast %add3A_7 : vector<16x16x1024xf32> to vector<256x1024xf32>
    %swap3A = arith.constant 0 : index
    %swap3A_8 = arith.constant 0 : index
    %swap3A_9 = vector.load %arg11[%swap3A, %swap3A_8] : memref<257x1024xf32, #tpu.memory_space<vmem>>, vector<256x1024xf32>
    tpu.vector_store %arg11[%swap3A, %swap3A_8], %reshape3A {strides = array<i32>} : memref<257x1024xf32, #tpu.memory_space<vmem>>, vector<256x1024xf32>,
    %broadcast_in_dim3A_10 = arith.constant 0.000000e+00 : f32
    %broadcast_in_dim3A_11 = vector.broadcast %broadcast_in_dim3A_10 : f32 to vector<1x1024xf32>
    %swap3A_12 = arith.constant 256 : index
    %swap3A_13 = arith.constant 0 : index
    %swap3A_14 = vector.load %arg11[%swap3A_12, %swap3A_13] : memref<257x1024xf32, #tpu.memory_space<vmem>>, vector<1x1024xf32>
    tpu.vector_store %arg11[%swap3A_12, %swap3A_13], %broadcast_in_dim3A_11 {strides = array<i32>} : memref<257x1024xf32, #tpu.memory_space<vmem>>, vector<1x1024xf32>,
    %dma_start3A = arith.constant 0 : i32
    %dma_start3A_15 = arith.constant 0 : i32
    %dma_start3A_16 = arith.constant 0 : i32
    %dma_start3A_17 = tpu.memref_slice %arg14[%dma_start3A_16] : memref<2x!tpu.dma_semaphore, #tpu.memory_space<semaphore_mem>> -> memref<1x!tpu.dma_semaphore, #tpu.memory_space<semaphore_mem>>
    %dma_start3A_18 = tpu.memref_squeeze %dma_start3A_17 : memref<1x!tpu.dma_semaphore, #tpu.memory_space<semaphore_mem>> -> memref<!tpu.dma_semaphore, #tpu.memory_space<semaphore_mem>>
    %dma_start3A_19 = arith.constant 0 : i32
    %dma_start3A_20 = arith.constant 0 : i32
    %dma_start3A_21 = tpu.memref_slice %arg5[%dma_start3A_15, %dma_start3A_19, %dma_start3A_20] : memref<2x2056x1024xf32, #tpu.memory_space<vmem>> -> memref<1x2056x1024xf32, #tpu.memory_space<vmem>>
    %dma_start3A_22 = tpu.memref_squeeze %dma_start3A_21 : memref<1x2056x1024xf32, #tpu.memory_space<vmem>> -> memref<2056x1024xf32, #tpu.memory_space<vmem>>
    %dma_start3A_23 = arith.constant 0 : i32
    %dma_start3A_24 = arith.constant 0 : i32
    %dma_start3A_25 = tpu.memref_slice %arg0[%dma_start3A, %dma_start3A_23, %dma_start3A_24] : memref<4x9509x1024xf32, #tpu.memory_space<any>> -> memref<1x2056x1024xf32, #tpu.memory_space<any>>
    %dma_start3A_26 = tpu.memref_squeeze %dma_start3A_25 : memref<1x2056x1024xf32, #tpu.memory_space<any>> -> memref<2056x1024xf32, #tpu.memory_space<any>>
    tpu.enqueue_dma source(%dma_start3A_26 : memref<2056x1024xf32, #tpu.memory_space<any>>) target(%dma_start3A_22 : memref<2056x1024xf32, #tpu.memory_space<vmem>>) target_semaphore(%dma_start3A_18 : memref<!tpu.dma_semaphore, #tpu.memory_space<semaphore_mem>>)
    %dma_start3A_27 = arith.constant 1 : i32
    %dma_start3A_28 = arith.constant 1 : i32
    %dma_start3A_29 = arith.constant 1 : i32
    %dma_start3A_30 = tpu.memref_slice %arg14[%dma_start3A_29] : memref<2x!tpu.dma_semaphore, #tpu.memory_space<semaphore_mem>> -> memref<1x!tpu.dma_semaphore, #tpu.memory_space<semaphore_mem>>
    %dma_start3A_31 = tpu.memref_squeeze %dma_start3A_30 : memref<1x!tpu.dma_semaphore, #tpu.memory_space<semaphore_mem>> -> memref<!tpu.dma_semaphore, #tpu.memory_space<semaphore_mem>>
    %dma_start3A_32 = arith.constant 0 : i32
    %dma_start3A_33 = arith.constant 0 : i32
    %dma_start3A_34 = tpu.memref_slice %arg5[%dma_start3A_28, %dma_start3A_32, %dma_start3A_33] : memref<2x2056x1024xf32, #tpu.memory_space<vmem>> -> memref<1x2056x1024xf32, #tpu.memory_space<vmem>>
    %dma_start3A_35 = tpu.memref_squeeze %dma_start3A_34 : memref<1x2056x1024xf32, #tpu.memory_space<vmem>> -> memref<2056x1024xf32, #tpu.memory_space<vmem>>
    %dma_start3A_36 = arith.constant 0 : i32
    %dma_start3A_37 = arith.constant 0 : i32
    %dma_start3A_38 = tpu.memref_slice %arg0[%dma_start3A_27, %dma_start3A_36, %dma_start3A_37] : memref<4x9509x1024xf32, #tpu.memory_space<any>> -> memref<1x2056x1024xf32, #tpu.memory_space<any>>
    %dma_start3A_39 = tpu.memref_squeeze %dma_start3A_38 : memref<1x2056x1024xf32, #tpu.memory_space<any>> -> memref<2056x1024xf32, #tpu.memory_space<any>>
    tpu.enqueue_dma source(%dma_start3A_39 : memref<2056x1024xf32, #tpu.memory_space<any>>) target(%dma_start3A_35 : memref<2056x1024xf32, #tpu.memory_space<vmem>>) target_semaphore(%dma_start3A_31 : memref<!tpu.dma_semaphore, #tpu.memory_space<semaphore_mem>>)
    %dma_start3A_40 = arith.constant 0 : i32
    %dma_start3A_41 = arith.constant 0 : i32
    %dma_start3A_42 = tpu.memref_slice %arg15[%dma_start3A_41] : memref<2x!tpu.dma_semaphore, #tpu.memory_space<semaphore_mem>> -> memref<1x!tpu.dma_semaphore, #tpu.memory_space<semaphore_mem>>
    %dma_start3A_43 = tpu.memref_squeeze %dma_start3A_42 : memref<1x!tpu.dma_semaphore, #tpu.memory_space<semaphore_mem>> -> memref<!tpu.dma_semaphore, #tpu.memory_space<semaphore_mem>>
    %dma_start3A_44 = arith.constant 0 : i32
    %dma_start3A_45 = arith.constant 0 : i32
    %dma_start3A_46 = tpu.memref_slice %arg6[%dma_start3A_40, %dma_start3A_44, %dma_start3A_45] : memref<2x2056x1024xf32, #tpu.memory_space<vmem>> -> memref<1x2056x1024xf32, #tpu.memory_space<vmem>>
    %dma_start3A_47 = tpu.memref_squeeze %dma_start3A_46 : memref<1x2056x1024xf32, #tpu.memory_space<vmem>> -> memref<2056x1024xf32, #tpu.memory_space<vmem>>
    %dma_start3A_48 = arith.constant 0 : i32
    %dma_start3A_49 = arith.constant 0 : i32
    %dma_start3A_50 = tpu.memref_slice %arg1[%dma_start3A_48, %dma_start3A_49] : memref<9509x1024xf32, #tpu.memory_space<any>> -> memref<2056x1024xf32, #tpu.memory_space<any>>
    tpu.enqueue_dma source(%dma_start3A_50 : memref<2056x1024xf32, #tpu.memory_space<any>>) target(%dma_start3A_47 : memref<2056x1024xf32, #tpu.memory_space<vmem>>) target_semaphore(%dma_start3A_43 : memref<!tpu.dma_semaphore, #tpu.memory_space<semaphore_mem>>)
    %dma_start3A_51 = arith.constant 1 : i32
    %dma_start3A_52 = arith.constant 1 : i32
    %dma_start3A_53 = tpu.memref_slice %arg15[%dma_start3A_52] : memref<2x!tpu.dma_semaphore, #tpu.memory_space<semaphore_mem>> -> memref<1x!tpu.dma_semaphore, #tpu.memory_space<semaphore_mem>>
    %dma_start3A_54 = tpu.memref_squeeze %dma_start3A_53 : memref<1x!tpu.dma_semaphore, #tpu.memory_space<semaphore_mem>> -> memref<!tpu.dma_semaphore, #tpu.memory_space<semaphore_mem>>
    %dma_start3A_55 = arith.constant 0 : i32
    %dma_start3A_56 = arith.constant 0 : i32
    %dma_start3A_57 = tpu.memref_slice %arg6[%dma_start3A_51, %dma_start3A_55, %dma_start3A_56] : memref<2x2056x1024xf32, #tpu.memory_space<vmem>> -> memref<1x2056x1024xf32, #tpu.memory_space<vmem>>
    %dma_start3A_58 = tpu.memref_squeeze %dma_start3A_57 : memref<1x2056x1024xf32, #tpu.memory_space<vmem>> -> memref<2056x1024xf32, #tpu.memory_space<vmem>>
    %dma_start3A_59 = arith.constant 2056 : i32
    %dma_start3A_60 = arith.constant 0 : i32
    %dma_start3A_61 = tpu.memref_slice %arg1[%dma_start3A_59, %dma_start3A_60] : memref<9509x1024xf32, #tpu.memory_space<any>> -> memref<2056x1024xf32, #tpu.memory_space<any>>
    tpu.enqueue_dma source(%dma_start3A_61 : memref<2056x1024xf32, #tpu.memory_space<any>>) target(%dma_start3A_58 : memref<2056x1024xf32, #tpu.memory_space<vmem>>) target_semaphore(%dma_start3A_54 : memref<!tpu.dma_semaphore, #tpu.memory_space<semaphore_mem>>)
    %scan3A = arith.constant 0 : i32
    %scan3A_62 = arith.constant 16 : i32
    %scan3A_63 = arith.addi %scan3A, %scan3A_62 : i32
    %scan3A_64 = arith.constant 1 : i32
    scf.for %scan3A_412 = %scan3A to %scan3A_63 step %scan3A_64  : i32 {
      %jit3A = arith.constant 2 : i32
      %eq3A = arith.constant 0 : i32
      %eq3A_413 = arith.cmpi eq, %jit3A, %eq3A : i32
      %jit3A_414 = arith.constant 1 : i32
      %select_n3A = arith.select %eq3A_413, %jit3A_414, %jit3A : i32
      %rem3A = arith.remsi %scan3A_412, %select_n3A : i32
      %ne3A = arith.constant 0 : i32
      %ne3A_415 = arith.cmpi ne, %rem3A, %ne3A : i32
      %lt3A = arith.constant 0 : i32
      %lt3A_416 = arith.cmpi slt, %rem3A, %lt3A : i32
      %lt3A_417 = arith.constant 0 : i32
      %lt3A_418 = arith.cmpi slt, %select_n3A, %lt3A_417 : i32
      %ne3A_419 = arith.xori %lt3A_416, %lt3A_418 : i1
      %and3A = arith.andi %ne3A_419, %ne3A_415 : i1
      %add3A_420 = arith.addi %rem3A, %select_n3A : i32
      %select_n3A_421 = arith.select %and3A, %add3A_420, %rem3A : i32
      %jit3A_422 = arith.constant 4 : i32
      %div3A = arith.divsi %scan3A_412, %jit3A_422 : i32
      %sign3A = arith.constant 0 : i32
      %sign3A_423 = arith.cmpi sgt, %scan3A_412, %sign3A : i32
      %sign3A_424 = arith.extui %sign3A_423 : i1 to i32
      %sign3A_425 = arith.constant 0 : i32
      %sign3A_426 = arith.cmpi slt, %scan3A_412, %sign3A_425 : i32
      %sign3A_427 = arith.extui %sign3A_426 : i1 to i32
      %sign3A_428 = arith.subi %sign3A_424, %sign3A_427 : i32
      %sign3A_429 = arith.constant 0 : i32
      %sign3A_430 = arith.cmpi sgt, %jit3A_422, %sign3A_429 : i32
      %sign3A_431 = arith.extui %sign3A_430 : i1 to i32
      %sign3A_432 = arith.constant 0 : i32
      %sign3A_433 = arith.cmpi slt, %jit3A_422, %sign3A_432 : i32
      %sign3A_434 = arith.extui %sign3A_433 : i1 to i32
      %sign3A_435 = arith.subi %sign3A_431, %sign3A_434 : i32
      %ne3A_436 = arith.cmpi ne, %sign3A_428, %sign3A_435 : i32
      %rem3A_437 = arith.remsi %scan3A_412, %jit3A_422 : i32
      %ne3A_438 = arith.constant 0 : i32
      %ne3A_439 = arith.cmpi ne, %rem3A_437, %ne3A_438 : i32
      %and3A_440 = arith.andi %ne3A_436, %ne3A_439 : i1
      %sub3A = arith.constant 1 : i32
      %sub3A_441 = arith.subi %div3A, %sub3A : i32
      %select_n3A_442 = arith.select %and3A_440, %sub3A_441, %div3A : i32
      %jit3A_443 = arith.constant 4 : i32
      %eq3A_444 = arith.constant 0 : i32
      %eq3A_445 = arith.cmpi eq, %jit3A_443, %eq3A_444 : i32
      %jit3A_446 = arith.constant 1 : i32
      %select_n3A_447 = arith.select %eq3A_445, %jit3A_446, %jit3A_443 : i32
      %rem3A_448 = arith.remsi %scan3A_412, %select_n3A_447 : i32
      %ne3A_449 = arith.constant 0 : i32
      %ne3A_450 = arith.cmpi ne, %rem3A_448, %ne3A_449 : i32
      %lt3A_451 = arith.constant 0 : i32
      %lt3A_452 = arith.cmpi slt, %rem3A_448, %lt3A_451 : i32
      %lt3A_453 = arith.constant 0 : i32
      %lt3A_454 = arith.cmpi slt, %select_n3A_447, %lt3A_453 : i32
      %ne3A_455 = arith.xori %lt3A_452, %lt3A_454 : i1
      %and3A_456 = arith.andi %ne3A_455, %ne3A_450 : i1
      %add3A_457 = arith.addi %rem3A_448, %select_n3A_447 : i32
      %select_n3A_458 = arith.select %and3A_456, %add3A_457, %rem3A_448 : i32
      %jit3A_459 = arith.constant 4 : i32
      %eq3A_460 = arith.constant 0 : i32
      %eq3A_461 = arith.cmpi eq, %jit3A_459, %eq3A_460 : i32
      %jit3A_462 = arith.constant 1 : i32
      %select_n3A_463 = arith.select %eq3A_461, %jit3A_462, %jit3A_459 : i32
      %rem3A_464 = arith.remsi %scan3A_412, %select_n3A_463 : i32
      %ne3A_465 = arith.constant 0 : i32
      %ne3A_466 = arith.cmpi ne, %rem3A_464, %ne3A_465 : i32
      %lt3A_467 = arith.constant 0 : i32
      %lt3A_468 = arith.cmpi slt, %rem3A_464, %lt3A_467 : i32
      %lt3A_469 = arith.constant 0 : i32
      %lt3A_470 = arith.cmpi slt, %select_n3A_463, %lt3A_469 : i32
      %ne3A_471 = arith.xori %lt3A_468, %lt3A_470 : i1
      %and3A_472 = arith.andi %ne3A_471, %ne3A_466 : i1
      %add3A_473 = arith.addi %rem3A_464, %select_n3A_463 : i32
      %select_n3A_474 = arith.select %and3A_472, %add3A_473, %rem3A_464 : i32
      %jit3A_475 = arith.constant 4 : i32
      %div3A_476 = arith.divsi %scan3A_412, %jit3A_475 : i32
      %sign3A_477 = arith.constant 0 : i32
      %sign3A_478 = arith.cmpi sgt, %scan3A_412, %sign3A_477 : i32
      %sign3A_479 = arith.extui %sign3A_478 : i1 to i32
      %sign3A_480 = arith.constant 0 : i32
      %sign3A_481 = arith.cmpi slt, %scan3A_412, %sign3A_480 : i32
      %sign3A_482 = arith.extui %sign3A_481 : i1 to i32
      %sign3A_483 = arith.subi %sign3A_479, %sign3A_482 : i32
      %sign3A_484 = arith.constant 0 : i32
      %sign3A_485 = arith.cmpi sgt, %jit3A_475, %sign3A_484 : i32
      %sign3A_486 = arith.extui %sign3A_485 : i1 to i32
      %sign3A_487 = arith.constant 0 : i32
      %sign3A_488 = arith.cmpi slt, %jit3A_475, %sign3A_487 : i32
      %sign3A_489 = arith.extui %sign3A_488 : i1 to i32
      %sign3A_490 = arith.subi %sign3A_486, %sign3A_489 : i32
      %ne3A_491 = arith.cmpi ne, %sign3A_483, %sign3A_490 : i32
      %rem3A_492 = arith.remsi %scan3A_412, %jit3A_475 : i32
      %ne3A_493 = arith.constant 0 : i32
      %ne3A_494 = arith.cmpi ne, %rem3A_492, %ne3A_493 : i32
      %and3A_495 = arith.andi %ne3A_491, %ne3A_494 : i1
      %sub3A_496 = arith.constant 1 : i32
      %sub3A_497 = arith.subi %div3A_476, %sub3A_496 : i32
      %select_n3A_498 = arith.select %and3A_495, %sub3A_497, %div3A_476 : i32
      %mul3A = arith.constant 2056 : i32
      %mul3A_499 = arith.muli %select_n3A_498, %mul3A : i32
      %dma_wait3A_500 = tpu.memref_slice %arg14[%select_n3A_421] : memref<2x!tpu.dma_semaphore, #tpu.memory_space<semaphore_mem>> -> memref<1x!tpu.dma_semaphore, #tpu.memory_space<semaphore_mem>>
      %dma_wait3A_501 = tpu.memref_squeeze %dma_wait3A_500 : memref<1x!tpu.dma_semaphore, #tpu.memory_space<semaphore_mem>> -> memref<!tpu.dma_semaphore, #tpu.memory_space<semaphore_mem>>
      %dma_wait3A_502 = arith.constant 0 : i32
      %dma_wait3A_503 = arith.constant 0 : i32
      %dma_wait3A_504 = tpu.memref_slice %arg5[%select_n3A_421, %dma_wait3A_502, %dma_wait3A_503] : memref<2x2056x1024xf32, #tpu.memory_space<vmem>> -> memref<1x2056x1024xf32, #tpu.memory_space<vmem>>
      %dma_wait3A_505 = tpu.memref_squeeze %dma_wait3A_504 : memref<1x2056x1024xf32, #tpu.memory_space<vmem>> -> memref<2056x1024xf32, #tpu.memory_space<vmem>>
      %dma_wait3A_506 = arith.constant 0 : i32
      %dma_wait3A_507 = tpu.memref_slice %arg0[%select_n3A_474, %mul3A_499, %dma_wait3A_506] : memref<4x9509x1024xf32, #tpu.memory_space<any>> -> memref<1x2056x1024xf32, #tpu.memory_space<any>>
      %dma_wait3A_508 = tpu.memref_squeeze %dma_wait3A_507 : memref<1x2056x1024xf32, #tpu.memory_space<any>> -> memref<2056x1024xf32, #tpu.memory_space<any>>
      tpu.wait_dma2 semaphore(%dma_wait3A_501 : memref<!tpu.dma_semaphore, #tpu.memory_space<semaphore_mem>>) src(%dma_wait3A_508 : memref<2056x1024xf32, #tpu.memory_space<any>>) dst(%dma_wait3A_505 : memref<2056x1024xf32, #tpu.memory_space<vmem>>)
      %eq3A_509 = arith.constant 0 : i32
      %eq3A_510 = arith.cmpi eq, %select_n3A_458, %eq3A_509 : i32
      %convert_element_type3A = arith.extui %eq3A_510 : i1 to i32
      %cond3A = arith.constant 0 : i32
      %cond3A_511 = arith.cmpi ne, %convert_element_type3A, %cond3A : i32
      scf.if %cond3A_511 {
        %jit3A_737 = arith.constant 2 : i32
        %eq3A_738 = arith.constant 0 : i32
        %eq3A_739 = arith.cmpi eq, %jit3A_737, %eq3A_738 : i32
        %jit3A_740 = arith.constant 1 : i32
        %select_n3A_741 = arith.select %eq3A_739, %jit3A_740, %jit3A_737 : i32
        %rem3A_742 = arith.remsi %select_n3A_442, %select_n3A_741 : i32
        %ne3A_743 = arith.constant 0 : i32
        %ne3A_744 = arith.cmpi ne, %rem3A_742, %ne3A_743 : i32
        %lt3A_745 = arith.constant 0 : i32
        %lt3A_746 = arith.cmpi slt, %rem3A_742, %lt3A_745 : i32
        %lt3A_747 = arith.constant 0 : i32
        %lt3A_748 = arith.cmpi slt, %select_n3A_741, %lt3A_747 : i32
        %ne3A_749 = arith.xori %lt3A_746, %lt3A_748 : i1
        %and3A_750 = arith.andi %ne3A_749, %ne3A_744 : i1
        %add3A_751 = arith.addi %rem3A_742, %select_n3A_741 : i32
        %select_n3A_752 = arith.select %and3A_750, %add3A_751, %rem3A_742 : i32
        %mul3A_753 = arith.constant 2056 : i32
        %mul3A_754 = arith.muli %select_n3A_442, %mul3A_753 : i32
        %dma_wait3A_755 = tpu.memref_slice %arg15[%select_n3A_752] : memref<2x!tpu.dma_semaphore, #tpu.memory_space<semaphore_mem>> -> memref<1x!tpu.dma_semaphore, #tpu.memory_space<semaphore_mem>>
        %dma_wait3A_756 = tpu.memref_squeeze %dma_wait3A_755 : memref<1x!tpu.dma_semaphore, #tpu.memory_space<semaphore_mem>> -> memref<!tpu.dma_semaphore, #tpu.memory_space<semaphore_mem>>
        %dma_wait3A_757 = arith.constant 0 : i32
        %dma_wait3A_758 = arith.constant 0 : i32
        %dma_wait3A_759 = tpu.memref_slice %arg6[%select_n3A_752, %dma_wait3A_757, %dma_wait3A_758] : memref<2x2056x1024xf32, #tpu.memory_space<vmem>> -> memref<1x2056x1024xf32, #tpu.memory_space<vmem>>
        %dma_wait3A_760 = tpu.memref_squeeze %dma_wait3A_759 : memref<1x2056x1024xf32, #tpu.memory_space<vmem>> -> memref<2056x1024xf32, #tpu.memory_space<vmem>>
        %dma_wait3A_761 = arith.constant 0 : i32
        %dma_wait3A_762 = tpu.memref_slice %arg1[%mul3A_754, %dma_wait3A_761] : memref<9509x1024xf32, #tpu.memory_space<any>> -> memref<2056x1024xf32, #tpu.memory_space<any>>
        tpu.wait_dma2 semaphore(%dma_wait3A_756 : memref<!tpu.dma_semaphore, #tpu.memory_space<semaphore_mem>>) src(%dma_wait3A_762 : memref<2056x1024xf32, #tpu.memory_space<any>>) dst(%dma_wait3A_760 : memref<2056x1024xf32, #tpu.memory_space<vmem>>)
      } else {
      }
      %ge3A = arith.constant 2 : i32
      %ge3A_512 = arith.cmpi sge, %scan3A_412, %ge3A : i32
      %convert_element_type3A_513 = arith.extui %ge3A_512 : i1 to i32
      %cond3A_514 = arith.constant 0 : i32
      %cond3A_515 = arith.cmpi ne, %convert_element_type3A_513, %cond3A_514 : i32
      scf.if %cond3A_515 {
        %sub3A_737 = arith.constant 2 : i32
        %sub3A_738 = arith.subi %scan3A_412, %sub3A_737 : i32
        %jit3A_739 = arith.constant 4 : i32
        %eq3A_740 = arith.constant 0 : i32
        %eq3A_741 = arith.cmpi eq, %jit3A_739, %eq3A_740 : i32
        %jit3A_742 = arith.constant 1 : i32
        %select_n3A_743 = arith.select %eq3A_741, %jit3A_742, %jit3A_739 : i32
        %rem3A_744 = arith.remsi %sub3A_738, %select_n3A_743 : i32
        %ne3A_745 = arith.constant 0 : i32
        %ne3A_746 = arith.cmpi ne, %rem3A_744, %ne3A_745 : i32
        %lt3A_747 = arith.constant 0 : i32
        %lt3A_748 = arith.cmpi slt, %rem3A_744, %lt3A_747 : i32
        %lt3A_749 = arith.constant 0 : i32
        %lt3A_750 = arith.cmpi slt, %select_n3A_743, %lt3A_749 : i32
        %ne3A_751 = arith.xori %lt3A_748, %lt3A_750 : i1
        %and3A_752 = arith.andi %ne3A_751, %ne3A_746 : i1
        %add3A_753 = arith.addi %rem3A_744, %select_n3A_743 : i32
        %select_n3A_754 = arith.select %and3A_752, %add3A_753, %rem3A_744 : i32
        %jit3A_755 = arith.constant 4 : i32
        %div3A_756 = arith.divsi %sub3A_738, %jit3A_755 : i32
        %sign3A_757 = arith.constant 0 : i32
        %sign3A_758 = arith.cmpi sgt, %sub3A_738, %sign3A_757 : i32
        %sign3A_759 = arith.extui %sign3A_758 : i1 to i32
        %sign3A_760 = arith.constant 0 : i32
        %sign3A_761 = arith.cmpi slt, %sub3A_738, %sign3A_760 : i32
        %sign3A_762 = arith.extui %sign3A_761 : i1 to i32
        %sign3A_763 = arith.subi %sign3A_759, %sign3A_762 : i32
        %sign3A_764 = arith.constant 0 : i32
        %sign3A_765 = arith.cmpi sgt, %jit3A_755, %sign3A_764 : i32
        %sign3A_766 = arith.extui %sign3A_765 : i1 to i32
        %sign3A_767 = arith.constant 0 : i32
        %sign3A_768 = arith.cmpi slt, %jit3A_755, %sign3A_767 : i32
        %sign3A_769 = arith.extui %sign3A_768 : i1 to i32
        %sign3A_770 = arith.subi %sign3A_766, %sign3A_769 : i32
        %ne3A_771 = arith.cmpi ne, %sign3A_763, %sign3A_770 : i32
        %rem3A_772 = arith.remsi %sub3A_738, %jit3A_755 : i32
        %ne3A_773 = arith.constant 0 : i32
        %ne3A_774 = arith.cmpi ne, %rem3A_772, %ne3A_773 : i32
        %and3A_775 = arith.andi %ne3A_771, %ne3A_774 : i1
        %sub3A_776 = arith.constant 1 : i32
        %sub3A_777 = arith.subi %div3A_756, %sub3A_776 : i32
        %select_n3A_778 = arith.select %and3A_775, %sub3A_777, %div3A_756 : i32
        %mul3A_779 = arith.constant 2056 : i32
        %mul3A_780 = arith.muli %select_n3A_778, %mul3A_779 : i32
        %dma_wait3A_781 = tpu.memref_slice %arg16[%select_n3A_421] : memref<2x!tpu.dma_semaphore, #tpu.memory_space<semaphore_mem>> -> memref<1x!tpu.dma_semaphore, #tpu.memory_space<semaphore_mem>>
        %dma_wait3A_782 = tpu.memref_squeeze %dma_wait3A_781 : memref<1x!tpu.dma_semaphore, #tpu.memory_space<semaphore_mem>> -> memref<!tpu.dma_semaphore, #tpu.memory_space<semaphore_mem>>
        %dma_wait3A_783 = arith.constant 0 : i32
        %dma_wait3A_784 = tpu.memref_slice %arg4[%select_n3A_754, %mul3A_780, %dma_wait3A_783] : memref<4x9509x1024xf32, #tpu.memory_space<any>> -> memref<1x2056x1024xf32, #tpu.memory_space<any>>
        %dma_wait3A_785 = tpu.memref_squeeze %dma_wait3A_784 : memref<1x2056x1024xf32, #tpu.memory_space<any>> -> memref<2056x1024xf32, #tpu.memory_space<any>>
        %dma_wait3A_786 = arith.constant 0 : i32
        %dma_wait3A_787 = arith.constant 0 : i32
        %dma_wait3A_788 = tpu.memref_slice %arg7[%select_n3A_421, %dma_wait3A_786, %dma_wait3A_787] : memref<2x2056x1024xf32, #tpu.memory_space<vmem>> -> memref<1x2056x1024xf32, #tpu.memory_space<vmem>>
        %dma_wait3A_789 = tpu.memref_squeeze %dma_wait3A_788 : memref<1x2056x1024xf32, #tpu.memory_space<vmem>> -> memref<2056x1024xf32, #tpu.memory_space<vmem>>
        tpu.wait_dma2 semaphore(%dma_wait3A_782 : memref<!tpu.dma_semaphore, #tpu.memory_space<semaphore_mem>>) src(%dma_wait3A_789 : memref<2056x1024xf32, #tpu.memory_space<vmem>>) dst(%dma_wait3A_785 : memref<2056x1024xf32, #tpu.memory_space<any>>)
      } else {
      }
      %get3A_516 = arith.index_cast %select_n3A_421 : i32 to index
      %get3A_517 = arith.constant 0 : index
      %get3A_518 = arith.constant 0 : index
      %get3A_519 = vector.load %arg5[%get3A_516, %get3A_517, %get3A_518] : memref<2x2056x1024xf32, #tpu.memory_space<vmem>>, vector<1x2056x1024xf32>
      %get3A_520 = vector.shape_cast %get3A_519 : vector<1x2056x1024xf32> to vector<2056x1024xf32>
      %jit3A_521 = arith.constant 2 : i32
      %eq3A_522 = arith.constant 0 : i32
      %eq3A_523 = arith.cmpi eq, %jit3A_521, %eq3A_522 : i32
      %jit3A_524 = arith.constant 1 : i32
      %select_n3A_525 = arith.select %eq3A_523, %jit3A_524, %jit3A_521 : i32
      %rem3A_526 = arith.remsi %select_n3A_442, %select_n3A_525 : i32
      %ne3A_527 = arith.constant 0 : i32
      %ne3A_528 = arith.cmpi ne, %rem3A_526, %ne3A_527 : i32
      %lt3A_529 = arith.constant 0 : i32
      %lt3A_530 = arith.cmpi slt, %rem3A_526, %lt3A_529 : i32
      %lt3A_531 = arith.constant 0 : i32
      %lt3A_532 = arith.cmpi slt, %select_n3A_525, %lt3A_531 : i32
      %ne3A_533 = arith.xori %lt3A_530, %lt3A_532 : i1
      %and3A_534 = arith.andi %ne3A_533, %ne3A_528 : i1
      %add3A_535 = arith.addi %rem3A_526, %select_n3A_525 : i32
      %select_n3A_536 = arith.select %and3A_534, %add3A_535, %rem3A_526 : i32
      %get3A_537 = arith.index_cast %select_n3A_536 : i32 to index
      %get3A_538 = arith.constant 0 : index
      %get3A_539 = arith.constant 0 : index
      %get3A_540 = vector.load %arg6[%get3A_537, %get3A_538, %get3A_539] : memref<2x2056x1024xf32, #tpu.memory_space<vmem>>, vector<1x2056x1024xf32>
      %get3A_541 = vector.shape_cast %get3A_540 : vector<1x2056x1024xf32> to vector<2056x1024xf32>
      %add3A_542 = arith.addf %get3A_520, %get3A_541 : vector<2056x1024xf32>
      %swap3A_543 = arith.index_cast %select_n3A_421 : i32 to index
      %swap3A_544 = arith.constant 0 : index
      %swap3A_545 = arith.constant 0 : index
      %swap3A_546 = vector.load %arg7[%swap3A_543, %swap3A_544, %swap3A_545] : memref<2x2056x1024xf32, #tpu.memory_space<vmem>>, vector<1x2056x1024xf32>
      %swap3A_547 = vector.shape_cast %swap3A_546 : vector<1x2056x1024xf32> to vector<2056x1024xf32>
      %swap3A_548 = vector.shape_cast %add3A_542 : vector<2056x1024xf32> to vector<1x2056x1024xf32>
      tpu.vector_store %arg7[%swap3A_543, %swap3A_544, %swap3A_545], %swap3A_548 {strides = array<i32>} : memref<2x2056x1024xf32, #tpu.memory_space<vmem>>, vector<1x2056x1024xf32>,
      %get3A_549 = arith.index_cast %select_n3A_421 : i32 to index
      %get3A_550 = arith.constant 0 : index
      %get3A_551 = arith.constant 0 : index
      %get3A_552 = vector.load %arg7[%get3A_549, %get3A_550, %get3A_551] : memref<2x2056x1024xf32, #tpu.memory_space<vmem>>, vector<1x257x1024xf32>
      %get3A_553 = vector.shape_cast %get3A_552 : vector<1x257x1024xf32> to vector<257x1024xf32>
      %get3A_554 = arith.constant 0 : index
      %get3A_555 = arith.constant 0 : index
      %get3A_556 = vector.load %arg11[%get3A_554, %get3A_555] : memref<257x1024xf32, #tpu.memory_space<vmem>>, vector<257x1024xf32>
      %add3A_557 = arith.addf %get3A_553, %get3A_556 : vector<257x1024xf32>
      %swap3A_558 = arith.index_cast %select_n3A_421 : i32 to index
      %swap3A_559 = arith.constant 0 : index
      %swap3A_560 = arith.constant 0 : index
      %swap3A_561 = vector.load %arg7[%swap3A_558, %swap3A_559, %swap3A_560] : memref<2x2056x1024xf32, #tpu.memory_space<vmem>>, vector<1x257x1024xf32>
      %swap3A_562 = vector.shape_cast %swap3A_561 : vector<1x257x1024xf32> to vector<257x1024xf32>
      %swap3A_563 = vector.shape_cast %add3A_557 : vector<257x1024xf32> to vector<1x257x1024xf32>
      tpu.vector_store %arg7[%swap3A_558, %swap3A_559, %swap3A_560], %swap3A_563 {strides = array<i32>} : memref<2x2056x1024xf32, #tpu.memory_space<vmem>>, vector<1x257x1024xf32>,
      %get3A_564 = arith.index_cast %select_n3A_421 : i32 to index
      %get3A_565 = arith.constant 257 : index
      %get3A_566 = arith.constant 0 : index
      %get3A_567 = vector.load %arg7[%get3A_564, %get3A_565, %get3A_566] : memref<2x2056x1024xf32, #tpu.memory_space<vmem>>, vector<1x257x1024xf32>
      %get3A_568 = vector.shape_cast %get3A_567 : vector<1x257x1024xf32> to vector<257x1024xf32>
      %get3A_569 = arith.constant 0 : index
      %get3A_570 = arith.constant 0 : index
      %get3A_571 = vector.load %arg11[%get3A_569, %get3A_570] : memref<257x1024xf32, #tpu.memory_space<vmem>>, vector<257x1024xf32>
      %add3A_572 = arith.addf %get3A_568, %get3A_571 : vector<257x1024xf32>
      %swap3A_573 = arith.index_cast %select_n3A_421 : i32 to index
      %swap3A_574 = arith.constant 257 : index
      %swap3A_575 = arith.constant 0 : index
      %swap3A_576 = vector.load %arg7[%swap3A_573, %swap3A_574, %swap3A_575] : memref<2x2056x1024xf32, #tpu.memory_space<vmem>>, vector<1x257x1024xf32>
      %swap3A_577 = vector.shape_cast %swap3A_576 : vector<1x257x1024xf32> to vector<257x1024xf32>
      %swap3A_578 = vector.shape_cast %add3A_572 : vector<257x1024xf32> to vector<1x257x1024xf32>
      tpu.vector_store %arg7[%swap3A_573, %swap3A_574, %swap3A_575], %swap3A_578 {strides = array<i32>} : memref<2x2056x1024xf32, #tpu.memory_space<vmem>>, vector<1x257x1024xf32>,
      %get3A_579 = arith.index_cast %select_n3A_421 : i32 to index
      %get3A_580 = arith.constant 514 : index
      %get3A_581 = arith.constant 0 : index
      %get3A_582 = vector.load %arg7[%get3A_579, %get3A_580, %get3A_581] : memref<2x2056x1024xf32, #tpu.memory_space<vmem>>, vector<1x257x1024xf32>
      %get3A_583 = vector.shape_cast %get3A_582 : vector<1x257x1024xf32> to vector<257x1024xf32>
      %get3A_584 = arith.constant 0 : index
      %get3A_585 = arith.constant 0 : index
      %get3A_586 = vector.load %arg11[%get3A_584, %get3A_585] : memref<257x1024xf32, #tpu.memory_space<vmem>>, vector<257x1024xf32>
      %add3A_587 = arith.addf %get3A_583, %get3A_586 : vector<257x1024xf32>
      %swap3A_588 = arith.index_cast %select_n3A_421 : i32 to index
      %swap3A_589 = arith.constant 514 : index
      %swap3A_590 = arith.constant 0 : index
      %swap3A_591 = vector.load %arg7[%swap3A_588, %swap3A_589, %swap3A_590] : memref<2x2056x1024xf32, #tpu.memory_space<vmem>>, vector<1x257x1024xf32>
      %swap3A_592 = vector.shape_cast %swap3A_591 : vector<1x257x1024xf32> to vector<257x1024xf32>
      %swap3A_593 = vector.shape_cast %add3A_587 : vector<257x1024xf32> to vector<1x257x1024xf32>
      tpu.vector_store %arg7[%swap3A_588, %swap3A_589, %swap3A_590], %swap3A_593 {strides = array<i32>} : memref<2x2056x1024xf32, #tpu.memory_space<vmem>>, vector<1x257x1024xf32>,
      %get3A_594 = arith.index_cast %select_n3A_421 : i32 to index
      %get3A_595 = arith.constant 771 : index
      %get3A_596 = arith.constant 0 : index
      %get3A_597 = vector.load %arg7[%get3A_594, %get3A_595, %get3A_596] : memref<2x2056x1024xf32, #tpu.memory_space<vmem>>, vector<1x257x1024xf32>
      %get3A_598 = vector.shape_cast %get3A_597 : vector<1x257x1024xf32> to vector<257x1024xf32>
      %get3A_599 = arith.constant 0 : index
      %get3A_600 = arith.constant 0 : index
      %get3A_601 = vector.load %arg11[%get3A_599, %get3A_600] : memref<257x1024xf32, #tpu.memory_space<vmem>>, vector<257x1024xf32>
      %add3A_602 = arith.addf %get3A_598, %get3A_601 : vector<257x1024xf32>
      %swap3A_603 = arith.index_cast %select_n3A_421 : i32 to index
      %swap3A_604 = arith.constant 771 : index
      %swap3A_605 = arith.constant 0 : index
      %swap3A_606 = vector.load %arg7[%swap3A_603, %swap3A_604, %swap3A_605] : memref<2x2056x1024xf32, #tpu.memory_space<vmem>>, vector<1x257x1024xf32>
      %swap3A_607 = vector.shape_cast %swap3A_606 : vector<1x257x1024xf32> to vector<257x1024xf32>
      %swap3A_608 = vector.shape_cast %add3A_602 : vector<257x1024xf32> to vector<1x257x1024xf32>
      tpu.vector_store %arg7[%swap3A_603, %swap3A_604, %swap3A_605], %swap3A_608 {strides = array<i32>} : memref<2x2056x1024xf32, #tpu.memory_space<vmem>>, vector<1x257x1024xf32>,
      %get3A_609 = arith.index_cast %select_n3A_421 : i32 to index
      %get3A_610 = arith.constant 1028 : index
      %get3A_611 = arith.constant 0 : index
      %get3A_612 = vector.load %arg7[%get3A_609, %get3A_610, %get3A_611] : memref<2x2056x1024xf32, #tpu.memory_space<vmem>>, vector<1x257x1024xf32>
      %get3A_613 = vector.shape_cast %get3A_612 : vector<1x257x1024xf32> to vector<257x1024xf32>
      %get3A_614 = arith.constant 0 : index
      %get3A_615 = arith.constant 0 : index
      %get3A_616 = vector.load %arg11[%get3A_614, %get3A_615] : memref<257x1024xf32, #tpu.memory_space<vmem>>, vector<257x1024xf32>
      %add3A_617 = arith.addf %get3A_613, %get3A_616 : vector<257x1024xf32>
      %swap3A_618 = arith.index_cast %select_n3A_421 : i32 to index
      %swap3A_619 = arith.constant 1028 : index
      %swap3A_620 = arith.constant 0 : index
      %swap3A_621 = vector.load %arg7[%swap3A_618, %swap3A_619, %swap3A_620] : memref<2x2056x1024xf32, #tpu.memory_space<vmem>>, vector<1x257x1024xf32>
      %swap3A_622 = vector.shape_cast %swap3A_621 : vector<1x257x1024xf32> to vector<257x1024xf32>
      %swap3A_623 = vector.shape_cast %add3A_617 : vector<257x1024xf32> to vector<1x257x1024xf32>
      tpu.vector_store %arg7[%swap3A_618, %swap3A_619, %swap3A_620], %swap3A_623 {strides = array<i32>} : memref<2x2056x1024xf32, #tpu.memory_space<vmem>>, vector<1x257x1024xf32>,
      %get3A_624 = arith.index_cast %select_n3A_421 : i32 to index
      %get3A_625 = arith.constant 1285 : index
      %get3A_626 = arith.constant 0 : index
      %get3A_627 = vector.load %arg7[%get3A_624, %get3A_625, %get3A_626] : memref<2x2056x1024xf32, #tpu.memory_space<vmem>>, vector<1x257x1024xf32>
      %get3A_628 = vector.shape_cast %get3A_627 : vector<1x257x1024xf32> to vector<257x1024xf32>
      %get3A_629 = arith.constant 0 : index
      %get3A_630 = arith.constant 0 : index
      %get3A_631 = vector.load %arg11[%get3A_629, %get3A_630] : memref<257x1024xf32, #tpu.memory_space<vmem>>, vector<257x1024xf32>
      %add3A_632 = arith.addf %get3A_628, %get3A_631 : vector<257x1024xf32>
      %swap3A_633 = arith.index_cast %select_n3A_421 : i32 to index
      %swap3A_634 = arith.constant 1285 : index
      %swap3A_635 = arith.constant 0 : index
      %swap3A_636 = vector.load %arg7[%swap3A_633, %swap3A_634, %swap3A_635] : memref<2x2056x1024xf32, #tpu.memory_space<vmem>>, vector<1x257x1024xf32>
      %swap3A_637 = vector.shape_cast %swap3A_636 : vector<1x257x1024xf32> to vector<257x1024xf32>
      %swap3A_638 = vector.shape_cast %add3A_632 : vector<257x1024xf32> to vector<1x257x1024xf32>
      tpu.vector_store %arg7[%swap3A_633, %swap3A_634, %swap3A_635], %swap3A_638 {strides = array<i32>} : memref<2x2056x1024xf32, #tpu.memory_space<vmem>>, vector<1x257x1024xf32>,
      %get3A_639 = arith.index_cast %select_n3A_421 : i32 to index
      %get3A_640 = arith.constant 1542 : index
      %get3A_641 = arith.constant 0 : index
      %get3A_642 = vector.load %arg7[%get3A_639, %get3A_640, %get3A_641] : memref<2x2056x1024xf32, #tpu.memory_space<vmem>>, vector<1x257x1024xf32>
      %get3A_643 = vector.shape_cast %get3A_642 : vector<1x257x1024xf32> to vector<257x1024xf32>
      %get3A_644 = arith.constant 0 : index
      %get3A_645 = arith.constant 0 : index
      %get3A_646 = vector.load %arg11[%get3A_644, %get3A_645] : memref<257x1024xf32, #tpu.memory_space<vmem>>, vector<257x1024xf32>
      %add3A_647 = arith.addf %get3A_643, %get3A_646 : vector<257x1024xf32>
      %swap3A_648 = arith.index_cast %select_n3A_421 : i32 to index
      %swap3A_649 = arith.constant 1542 : index
      %swap3A_650 = arith.constant 0 : index
      %swap3A_651 = vector.load %arg7[%swap3A_648, %swap3A_649, %swap3A_650] : memref<2x2056x1024xf32, #tpu.memory_space<vmem>>, vector<1x257x1024xf32>
      %swap3A_652 = vector.shape_cast %swap3A_651 : vector<1x257x1024xf32> to vector<257x1024xf32>
      %swap3A_653 = vector.shape_cast %add3A_647 : vector<257x1024xf32> to vector<1x257x1024xf32>
      tpu.vector_store %arg7[%swap3A_648, %swap3A_649, %swap3A_650], %swap3A_653 {strides = array<i32>} : memref<2x2056x1024xf32, #tpu.memory_space<vmem>>, vector<1x257x1024xf32>,
      %get3A_654 = arith.index_cast %select_n3A_421 : i32 to index
      %get3A_655 = arith.constant 1799 : index
      %get3A_656 = arith.constant 0 : index
      %get3A_657 = vector.load %arg7[%get3A_654, %get3A_655, %get3A_656] : memref<2x2056x1024xf32, #tpu.memory_space<vmem>>, vector<1x257x1024xf32>
      %get3A_658 = vector.shape_cast %get3A_657 : vector<1x257x1024xf32> to vector<257x1024xf32>
      %get3A_659 = arith.constant 0 : index
      %get3A_660 = arith.constant 0 : index
      %get3A_661 = vector.load %arg11[%get3A_659, %get3A_660] : memref<257x1024xf32, #tpu.memory_space<vmem>>, vector<257x1024xf32>
      %add3A_662 = arith.addf %get3A_658, %get3A_661 : vector<257x1024xf32>
      %swap3A_663 = arith.index_cast %select_n3A_421 : i32 to index
      %swap3A_664 = arith.constant 1799 : index
      %swap3A_665 = arith.constant 0 : index
      %swap3A_666 = vector.load %arg7[%swap3A_663, %swap3A_664, %swap3A_665] : memref<2x2056x1024xf32, #tpu.memory_space<vmem>>, vector<1x257x1024xf32>
      %swap3A_667 = vector.shape_cast %swap3A_666 : vector<1x257x1024xf32> to vector<257x1024xf32>
      %swap3A_668 = vector.shape_cast %add3A_662 : vector<257x1024xf32> to vector<1x257x1024xf32>
      tpu.vector_store %arg7[%swap3A_663, %swap3A_664, %swap3A_665], %swap3A_668 {strides = array<i32>} : memref<2x2056x1024xf32, #tpu.memory_space<vmem>>, vector<1x257x1024xf32>,
      %jit3A_669 = arith.constant 4 : i32
      %eq3A_670 = arith.constant 0 : i32
      %eq3A_671 = arith.cmpi eq, %jit3A_669, %eq3A_670 : i32
      %jit3A_672 = arith.constant 1 : i32
      %select_n3A_673 = arith.select %eq3A_671, %jit3A_672, %jit3A_669 : i32
      %rem3A_674 = arith.remsi %scan3A_412, %select_n3A_673 : i32
      %ne3A_675 = arith.constant 0 : i32
      %ne3A_676 = arith.cmpi ne, %rem3A_674, %ne3A_675 : i32
      %lt3A_677 = arith.constant 0 : i32
      %lt3A_678 = arith.cmpi slt, %rem3A_674, %lt3A_677 : i32
      %lt3A_679 = arith.constant 0 : i32
      %lt3A_680 = arith.cmpi slt, %select_n3A_673, %lt3A_679 : i32
      %ne3A_681 = arith.xori %lt3A_678, %lt3A_680 : i1
      %and3A_682 = arith.andi %ne3A_681, %ne3A_676 : i1
      %add3A_683 = arith.addi %rem3A_674, %select_n3A_673 : i32
      %select_n3A_684 = arith.select %and3A_682, %add3A_683, %rem3A_674 : i32
      %jit3A_685 = arith.constant 4 : i32
      %div3A_686 = arith.divsi %scan3A_412, %jit3A_685 : i32
      %sign3A_687 = arith.constant 0 : i32
      %sign3A_688 = arith.cmpi sgt, %scan3A_412, %sign3A_687 : i32
      %sign3A_689 = arith.extui %sign3A_688 : i1 to i32
      %sign3A_690 = arith.constant 0 : i32
      %sign3A_691 = arith.cmpi slt, %scan3A_412, %sign3A_690 : i32
      %sign3A_692 = arith.extui %sign3A_691 : i1 to i32
      %sign3A_693 = arith.subi %sign3A_689, %sign3A_692 : i32
      %sign3A_694 = arith.constant 0 : i32
      %sign3A_695 = arith.cmpi sgt, %jit3A_685, %sign3A_694 : i32
      %sign3A_696 = arith.extui %sign3A_695 : i1 to i32
      %sign3A_697 = arith.constant 0 : i32
      %sign3A_698 = arith.cmpi slt, %jit3A_685, %sign3A_697 : i32
      %sign3A_699 = arith.extui %sign3A_698 : i1 to i32
      %sign3A_700 = arith.subi %sign3A_696, %sign3A_699 : i32
      %ne3A_701 = arith.cmpi ne, %sign3A_693, %sign3A_700 : i32
      %rem3A_702 = arith.remsi %scan3A_412, %jit3A_685 : i32
      %ne3A_703 = arith.constant 0 : i32
      %ne3A_704 = arith.cmpi ne, %rem3A_702, %ne3A_703 : i32
      %and3A_705 = arith.andi %ne3A_701, %ne3A_704 : i1
      %sub3A_706 = arith.constant 1 : i32
      %sub3A_707 = arith.subi %div3A_686, %sub3A_706 : i32
      %select_n3A_708 = arith.select %and3A_705, %sub3A_707, %div3A_686 : i32
      %mul3A_709 = arith.constant 2056 : i32
      %mul3A_710 = arith.muli %select_n3A_708, %mul3A_709 : i32
      %dma_start3A_711 = tpu.memref_slice %arg16[%select_n3A_421] : memref<2x!tpu.dma_semaphore, #tpu.memory_space<semaphore_mem>> -> memref<1x!tpu.dma_semaphore, #tpu.memory_space<semaphore_mem>>
      %dma_start3A_712 = tpu.memref_squeeze %dma_start3A_711 : memref<1x!tpu.dma_semaphore, #tpu.memory_space<semaphore_mem>> -> memref<!tpu.dma_semaphore, #tpu.memory_space<semaphore_mem>>
      %dma_start3A_713 = arith.constant 0 : i32
      %dma_start3A_714 = tpu.memref_slice %arg4[%select_n3A_684, %mul3A_710, %dma_start3A_713] : memref<4x9509x1024xf32, #tpu.memory_space<any>> -> memref<1x2056x1024xf32, #tpu.memory_space<any>>
      %dma_start3A_715 = tpu.memref_squeeze %dma_start3A_714 : memref<1x2056x1024xf32, #tpu.memory_space<any>> -> memref<2056x1024xf32, #tpu.memory_space<any>>
      %dma_start3A_716 = arith.constant 0 : i32
      %dma_start3A_717 = arith.constant 0 : i32
      %dma_start3A_718 = tpu.memref_slice %arg7[%select_n3A_421, %dma_start3A_716, %dma_start3A_717] : memref<2x2056x1024xf32, #tpu.memory_space<vmem>> -> memref<1x2056x1024xf32, #tpu.memory_space<vmem>>
      %dma_start3A_719 = tpu.memref_squeeze %dma_start3A_718 : memref<1x2056x1024xf32, #tpu.memory_space<vmem>> -> memref<2056x1024xf32, #tpu.memory_space<vmem>>
      tpu.enqueue_dma source(%dma_start3A_719 : memref<2056x1024xf32, #tpu.memory_space<vmem>>) target(%dma_start3A_715 : memref<2056x1024xf32, #tpu.memory_space<any>>) target_semaphore(%dma_start3A_712 : memref<!tpu.dma_semaphore, #tpu.memory_space<semaphore_mem>>)
      %add3A_720 = arith.constant 2 : i32
      %add3A_721 = arith.addi %scan3A_412, %add3A_720 : i32
      %lt3A_722 = arith.constant 16 : i32
      %lt3A_723 = arith.cmpi slt, %add3A_721, %lt3A_722 : i32
      %convert_element_type3A_724 = arith.extui %lt3A_723 : i1 to i32
      %cond3A_725 = arith.constant 0 : i32
      %cond3A_726 = arith.cmpi ne, %convert_element_type3A_724, %cond3A_725 : i32
      scf.if %cond3A_726 {
        %add3A_737 = arith.constant 2 : i32
        %add3A_738 = arith.addi %scan3A_412, %add3A_737 : i32
        %jit3A_739 = arith.constant 4 : i32
        %eq3A_740 = arith.constant 0 : i32
        %eq3A_741 = arith.cmpi eq, %jit3A_739, %eq3A_740 : i32
        %jit3A_742 = arith.constant 1 : i32
        %select_n3A_743 = arith.select %eq3A_741, %jit3A_742, %jit3A_739 : i32
        %rem3A_744 = arith.remsi %add3A_738, %select_n3A_743 : i32
        %ne3A_745 = arith.constant 0 : i32
        %ne3A_746 = arith.cmpi ne, %rem3A_744, %ne3A_745 : i32
        %lt3A_747 = arith.constant 0 : i32
        %lt3A_748 = arith.cmpi slt, %rem3A_744, %lt3A_747 : i32
        %lt3A_749 = arith.constant 0 : i32
        %lt3A_750 = arith.cmpi slt, %select_n3A_743, %lt3A_749 : i32
        %ne3A_751 = arith.xori %lt3A_748, %lt3A_750 : i1
        %and3A_752 = arith.andi %ne3A_751, %ne3A_746 : i1
        %add3A_753 = arith.addi %rem3A_744, %select_n3A_743 : i32
        %select_n3A_754 = arith.select %and3A_752, %add3A_753, %rem3A_744 : i32
        %jit3A_755 = arith.constant 4 : i32
        %div3A_756 = arith.divsi %add3A_738, %jit3A_755 : i32
        %sign3A_757 = arith.constant 0 : i32
        %sign3A_758 = arith.cmpi sgt, %add3A_738, %sign3A_757 : i32
        %sign3A_759 = arith.extui %sign3A_758 : i1 to i32
        %sign3A_760 = arith.constant 0 : i32
        %sign3A_761 = arith.cmpi slt, %add3A_738, %sign3A_760 : i32
        %sign3A_762 = arith.extui %sign3A_761 : i1 to i32
        %sign3A_763 = arith.subi %sign3A_759, %sign3A_762 : i32
        %sign3A_764 = arith.constant 0 : i32
        %sign3A_765 = arith.cmpi sgt, %jit3A_755, %sign3A_764 : i32
        %sign3A_766 = arith.extui %sign3A_765 : i1 to i32
        %sign3A_767 = arith.constant 0 : i32
        %sign3A_768 = arith.cmpi slt, %jit3A_755, %sign3A_767 : i32
        %sign3A_769 = arith.extui %sign3A_768 : i1 to i32
        %sign3A_770 = arith.subi %sign3A_766, %sign3A_769 : i32
        %ne3A_771 = arith.cmpi ne, %sign3A_763, %sign3A_770 : i32
        %rem3A_772 = arith.remsi %add3A_738, %jit3A_755 : i32
        %ne3A_773 = arith.constant 0 : i32
        %ne3A_774 = arith.cmpi ne, %rem3A_772, %ne3A_773 : i32
        %and3A_775 = arith.andi %ne3A_771, %ne3A_774 : i1
        %sub3A_776 = arith.constant 1 : i32
        %sub3A_777 = arith.subi %div3A_756, %sub3A_776 : i32
        %select_n3A_778 = arith.select %and3A_775, %sub3A_777, %div3A_756 : i32
        %mul3A_779 = arith.constant 2056 : i32
        %mul3A_780 = arith.muli %select_n3A_778, %mul3A_779 : i32
        %dma_start3A_781 = tpu.memref_slice %arg14[%select_n3A_421] : memref<2x!tpu.dma_semaphore, #tpu.memory_space<semaphore_mem>> -> memref<1x!tpu.dma_semaphore, #tpu.memory_space<semaphore_mem>>
        %dma_start3A_782 = tpu.memref_squeeze %dma_start3A_781 : memref<1x!tpu.dma_semaphore, #tpu.memory_space<semaphore_mem>> -> memref<!tpu.dma_semaphore, #tpu.memory_space<semaphore_mem>>
        %dma_start3A_783 = arith.constant 0 : i32
        %dma_start3A_784 = arith.constant 0 : i32
        %dma_start3A_785 = tpu.memref_slice %arg5[%select_n3A_421, %dma_start3A_783, %dma_start3A_784] : memref<2x2056x1024xf32, #tpu.memory_space<vmem>> -> memref<1x2056x1024xf32, #tpu.memory_space<vmem>>
        %dma_start3A_786 = tpu.memref_squeeze %dma_start3A_785 : memref<1x2056x1024xf32, #tpu.memory_space<vmem>> -> memref<2056x1024xf32, #tpu.memory_space<vmem>>
        %dma_start3A_787 = arith.constant 0 : i32
        %dma_start3A_788 = tpu.memref_slice %arg0[%select_n3A_754, %mul3A_780, %dma_start3A_787] : memref<4x9509x1024xf32, #tpu.memory_space<any>> -> memref<1x2056x1024xf32, #tpu.memory_space<any>>
        %dma_start3A_789 = tpu.memref_squeeze %dma_start3A_788 : memref<1x2056x1024xf32, #tpu.memory_space<any>> -> memref<2056x1024xf32, #tpu.memory_space<any>>
        tpu.enqueue_dma source(%dma_start3A_789 : memref<2056x1024xf32, #tpu.memory_space<any>>) target(%dma_start3A_786 : memref<2056x1024xf32, #tpu.memory_space<vmem>>) target_semaphore(%dma_start3A_782 : memref<!tpu.dma_semaphore, #tpu.memory_space<semaphore_mem>>)
      } else {
      }
      %eq3A_727 = arith.constant 3 : i32
      %eq3A_728 = arith.cmpi eq, %select_n3A_458, %eq3A_727 : i32
      %add3A_729 = arith.constant 2 : i32
      %add3A_730 = arith.addi %select_n3A_442, %add3A_729 : i32
      %lt3A_731 = arith.constant 4 : i32
      %lt3A_732 = arith.cmpi slt, %add3A_730, %lt3A_731 : i32
      %and3A_733 = arith.andi %eq3A_728, %lt3A_732 : i1
      %convert_element_type3A_734 = arith.extui %and3A_733 : i1 to i32
      %cond3A_735 = arith.constant 0 : i32
      %cond3A_736 = arith.cmpi ne, %convert_element_type3A_734, %cond3A_735 : i32
      scf.if %cond3A_736 {
        %add3A_737 = arith.constant 2 : i32
        %add3A_738 = arith.addi %select_n3A_442, %add3A_737 : i32
        %jit3A_739 = arith.constant 2 : i32
        %eq3A_740 = arith.constant 0 : i32
        %eq3A_741 = arith.cmpi eq, %jit3A_739, %eq3A_740 : i32
        %jit3A_742 = arith.constant 1 : i32
        %select_n3A_743 = arith.select %eq3A_741, %jit3A_742, %jit3A_739 : i32
        %rem3A_744 = arith.remsi %select_n3A_442, %select_n3A_743 : i32
        %ne3A_745 = arith.constant 0 : i32
        %ne3A_746 = arith.cmpi ne, %rem3A_744, %ne3A_745 : i32
        %lt3A_747 = arith.constant 0 : i32
        %lt3A_748 = arith.cmpi slt, %rem3A_744, %lt3A_747 : i32
        %lt3A_749 = arith.constant 0 : i32
        %lt3A_750 = arith.cmpi slt, %select_n3A_743, %lt3A_749 : i32
        %ne3A_751 = arith.xori %lt3A_748, %lt3A_750 : i1
        %and3A_752 = arith.andi %ne3A_751, %ne3A_746 : i1
        %add3A_753 = arith.addi %rem3A_744, %select_n3A_743 : i32
        %select_n3A_754 = arith.select %and3A_752, %add3A_753, %rem3A_744 : i32
        %mul3A_755 = arith.constant 2056 : i32
        %mul3A_756 = arith.muli %add3A_738, %mul3A_755 : i32
        %dma_start3A_757 = tpu.memref_slice %arg15[%select_n3A_754] : memref<2x!tpu.dma_semaphore, #tpu.memory_space<semaphore_mem>> -> memref<1x!tpu.dma_semaphore, #tpu.memory_space<semaphore_mem>>
        %dma_start3A_758 = tpu.memref_squeeze %dma_start3A_757 : memref<1x!tpu.dma_semaphore, #tpu.memory_space<semaphore_mem>> -> memref<!tpu.dma_semaphore, #tpu.memory_space<semaphore_mem>>
        %dma_start3A_759 = arith.constant 0 : i32
        %dma_start3A_760 = arith.constant 0 : i32
        %dma_start3A_761 = tpu.memref_slice %arg6[%select_n3A_754, %dma_start3A_759, %dma_start3A_760] : memref<2x2056x1024xf32, #tpu.memory_space<vmem>> -> memref<1x2056x1024xf32, #tpu.memory_space<vmem>>
        %dma_start3A_762 = tpu.memref_squeeze %dma_start3A_761 : memref<1x2056x1024xf32, #tpu.memory_space<vmem>> -> memref<2056x1024xf32, #tpu.memory_space<vmem>>
        %dma_start3A_763 = arith.constant 0 : i32
        %dma_start3A_764 = tpu.memref_slice %arg1[%mul3A_756, %dma_start3A_763] : memref<9509x1024xf32, #tpu.memory_space<any>> -> memref<2056x1024xf32, #tpu.memory_space<any>>
        tpu.enqueue_dma source(%dma_start3A_764 : memref<2056x1024xf32, #tpu.memory_space<any>>) target(%dma_start3A_762 : memref<2056x1024xf32, #tpu.memory_space<vmem>>) target_semaphore(%dma_start3A_758 : memref<!tpu.dma_semaphore, #tpu.memory_space<semaphore_mem>>)
      } else {
      }
    }
    %scan3A_65 = arith.constant 16 : i32
    %dma_wait3A = arith.constant 0 : i32
    %dma_wait3A_66 = arith.constant 2 : i32
    %dma_wait3A_67 = arith.constant 0 : i32
    %dma_wait3A_68 = tpu.memref_slice %arg16[%dma_wait3A_67] : memref<2x!tpu.dma_semaphore, #tpu.memory_space<semaphore_mem>> -> memref<1x!tpu.dma_semaphore, #tpu.memory_space<semaphore_mem>>
    %dma_wait3A_69 = tpu.memref_squeeze %dma_wait3A_68 : memref<1x!tpu.dma_semaphore, #tpu.memory_space<semaphore_mem>> -> memref<!tpu.dma_semaphore, #tpu.memory_space<semaphore_mem>>
    %dma_wait3A_70 = arith.constant 6168 : i32
    %dma_wait3A_71 = arith.constant 0 : i32
    %dma_wait3A_72 = tpu.memref_slice %arg4[%dma_wait3A_66, %dma_wait3A_70, %dma_wait3A_71] : memref<4x9509x1024xf32, #tpu.memory_space<any>> -> memref<1x2056x1024xf32, #tpu.memory_space<any>>
    %dma_wait3A_73 = tpu.memref_squeeze %dma_wait3A_72 : memref<1x2056x1024xf32, #tpu.memory_space<any>> -> memref<2056x1024xf32, #tpu.memory_space<any>>
    %dma_wait3A_74 = arith.constant 0 : i32
    %dma_wait3A_75 = arith.constant 0 : i32
    %dma_wait3A_76 = tpu.memref_slice %arg7[%dma_wait3A, %dma_wait3A_74, %dma_wait3A_75] : memref<2x2056x1024xf32, #tpu.memory_space<vmem>> -> memref<1x2056x1024xf32, #tpu.memory_space<vmem>>
    %dma_wait3A_77 = tpu.memref_squeeze %dma_wait3A_76 : memref<1x2056x1024xf32, #tpu.memory_space<vmem>> -> memref<2056x1024xf32, #tpu.memory_space<vmem>>
    tpu.wait_dma2 semaphore(%dma_wait3A_69 : memref<!tpu.dma_semaphore, #tpu.memory_space<semaphore_mem>>) src(%dma_wait3A_77 : memref<2056x1024xf32, #tpu.memory_space<vmem>>) dst(%dma_wait3A_73 : memref<2056x1024xf32, #tpu.memory_space<any>>)
    %dma_wait3A_78 = arith.constant 1 : i32
    %dma_wait3A_79 = arith.constant 3 : i32
    %dma_wait3A_80 = arith.constant 1 : i32
    %dma_wait3A_81 = tpu.memref_slice %arg16[%dma_wait3A_80] : memref<2x!tpu.dma_semaphore, #tpu.memory_space<semaphore_mem>> -> memref<1x!tpu.dma_semaphore, #tpu.memory_space<semaphore_mem>>
    %dma_wait3A_82 = tpu.memref_squeeze %dma_wait3A_81 : memref<1x!tpu.dma_semaphore, #tpu.memory_space<semaphore_mem>> -> memref<!tpu.dma_semaphore, #tpu.memory_space<semaphore_mem>>
    %dma_wait3A_83 = arith.constant 6168 : i32
    %dma_wait3A_84 = arith.constant 0 : i32
    %dma_wait3A_85 = tpu.memref_slice %arg4[%dma_wait3A_79, %dma_wait3A_83, %dma_wait3A_84] : memref<4x9509x1024xf32, #tpu.memory_space<any>> -> memref<1x2056x1024xf32, #tpu.memory_space<any>>
    %dma_wait3A_86 = tpu.memref_squeeze %dma_wait3A_85 : memref<1x2056x1024xf32, #tpu.memory_space<any>> -> memref<2056x1024xf32, #tpu.memory_space<any>>
    %dma_wait3A_87 = arith.constant 0 : i32
    %dma_wait3A_88 = arith.constant 0 : i32
    %dma_wait3A_89 = tpu.memref_slice %arg7[%dma_wait3A_78, %dma_wait3A_87, %dma_wait3A_88] : memref<2x2056x1024xf32, #tpu.memory_space<vmem>> -> memref<1x2056x1024xf32, #tpu.memory_space<vmem>>
    %dma_wait3A_90 = tpu.memref_squeeze %dma_wait3A_89 : memref<1x2056x1024xf32, #tpu.memory_space<vmem>> -> memref<2056x1024xf32, #tpu.memory_space<vmem>>
    tpu.wait_dma2 semaphore(%dma_wait3A_82 : memref<!tpu.dma_semaphore, #tpu.memory_space<semaphore_mem>>) src(%dma_wait3A_90 : memref<2056x1024xf32, #tpu.memory_space<vmem>>) dst(%dma_wait3A_86 : memref<2056x1024xf32, #tpu.memory_space<any>>)
    %dma_start3A_91 = arith.constant 9504 : i32
    %dma_start3A_92 = arith.constant 0 : i32
    %dma_start3A_93 = tpu.memref_slice %arg1[%dma_start3A_91, %dma_start3A_92] : memref<9509x1024xf32, #tpu.memory_space<any>> -> memref<5x1024xf32, #tpu.memory_space<any>>
    tpu.enqueue_dma source(%dma_start3A_93 : memref<5x1024xf32, #tpu.memory_space<any>>) target(%arg9 : memref<5x1024xf32, #tpu.memory_space<vmem>>) target_semaphore(%arg18 : memref<!tpu.dma_semaphore, #tpu.memory_space<semaphore_mem>>)
    %dma_start3A_94 = arith.constant 0 : i32
    %dma_start3A_95 = arith.constant 0 : i32
    %dma_start3A_96 = arith.constant 0 : i32
    %dma_start3A_97 = arith.constant 0 : i32
    %dma_start3A_98 = tpu.memref_slice %arg8[%dma_start3A_95, %dma_start3A_96, %dma_start3A_97] : memref<4x5x1024xf32, #tpu.memory_space<vmem>> -> memref<1x5x1024xf32, #tpu.memory_space<vmem>>
    %dma_start3A_99 = tpu.memref_squeeze %dma_start3A_98 : memref<1x5x1024xf32, #tpu.memory_space<vmem>> -> memref<5x1024xf32, #tpu.memory_space<vmem>>
    %dma_start3A_100 = arith.constant 9504 : i32
    %dma_start3A_101 = arith.constant 0 : i32
    %dma_start3A_102 = tpu.memref_slice %arg0[%dma_start3A_94, %dma_start3A_100, %dma_start3A_101] : memref<4x9509x1024xf32, #tpu.memory_space<any>> -> memref<1x5x1024xf32, #tpu.memory_space<any>>
    %dma_start3A_103 = tpu.memref_squeeze %dma_start3A_102 : memref<1x5x1024xf32, #tpu.memory_space<any>> -> memref<5x1024xf32, #tpu.memory_space<any>>
    tpu.enqueue_dma source(%dma_start3A_103 : memref<5x1024xf32, #tpu.memory_space<any>>) target(%dma_start3A_99 : memref<5x1024xf32, #tpu.memory_space<vmem>>) target_semaphore(%arg18 : memref<!tpu.dma_semaphore, #tpu.memory_space<semaphore_mem>>)
    %dma_start3A_104 = arith.constant 1 : i32
    %dma_start3A_105 = arith.constant 1 : i32
    %dma_start3A_106 = arith.constant 0 : i32
    %dma_start3A_107 = arith.constant 0 : i32
    %dma_start3A_108 = tpu.memref_slice %arg8[%dma_start3A_105, %dma_start3A_106, %dma_start3A_107] : memref<4x5x1024xf32, #tpu.memory_space<vmem>> -> memref<1x5x1024xf32, #tpu.memory_space<vmem>>
    %dma_start3A_109 = tpu.memref_squeeze %dma_start3A_108 : memref<1x5x1024xf32, #tpu.memory_space<vmem>> -> memref<5x1024xf32, #tpu.memory_space<vmem>>
    %dma_start3A_110 = arith.constant 9504 : i32
    %dma_start3A_111 = arith.constant 0 : i32
    %dma_start3A_112 = tpu.memref_slice %arg0[%dma_start3A_104, %dma_start3A_110, %dma_start3A_111] : memref<4x9509x1024xf32, #tpu.memory_space<any>> -> memref<1x5x1024xf32, #tpu.memory_space<any>>
    %dma_start3A_113 = tpu.memref_squeeze %dma_start3A_112 : memref<1x5x1024xf32, #tpu.memory_space<any>> -> memref<5x1024xf32, #tpu.memory_space<any>>
    tpu.enqueue_dma source(%dma_start3A_113 : memref<5x1024xf32, #tpu.memory_space<any>>) target(%dma_start3A_109 : memref<5x1024xf32, #tpu.memory_space<vmem>>) target_semaphore(%arg18 : memref<!tpu.dma_semaphore, #tpu.memory_space<semaphore_mem>>)
    %dma_start3A_114 = arith.constant 2 : i32
    %dma_start3A_115 = arith.constant 2 : i32
    %dma_start3A_116 = arith.constant 0 : i32
    %dma_start3A_117 = arith.constant 0 : i32
    %dma_start3A_118 = tpu.memref_slice %arg8[%dma_start3A_115, %dma_start3A_116, %dma_start3A_117] : memref<4x5x1024xf32, #tpu.memory_space<vmem>> -> memref<1x5x1024xf32, #tpu.memory_space<vmem>>
    %dma_start3A_119 = tpu.memref_squeeze %dma_start3A_118 : memref<1x5x1024xf32, #tpu.memory_space<vmem>> -> memref<5x1024xf32, #tpu.memory_space<vmem>>
    %dma_start3A_120 = arith.constant 9504 : i32
    %dma_start3A_121 = arith.constant 0 : i32
    %dma_start3A_122 = tpu.memref_slice %arg0[%dma_start3A_114, %dma_start3A_120, %dma_start3A_121] : memref<4x9509x1024xf32, #tpu.memory_space<any>> -> memref<1x5x1024xf32, #tpu.memory_space<any>>
    %dma_start3A_123 = tpu.memref_squeeze %dma_start3A_122 : memref<1x5x1024xf32, #tpu.memory_space<any>> -> memref<5x1024xf32, #tpu.memory_space<any>>
    tpu.enqueue_dma source(%dma_start3A_123 : memref<5x1024xf32, #tpu.memory_space<any>>) target(%dma_start3A_119 : memref<5x1024xf32, #tpu.memory_space<vmem>>) target_semaphore(%arg18 : memref<!tpu.dma_semaphore, #tpu.memory_space<semaphore_mem>>)
    %dma_start3A_124 = arith.constant 3 : i32
    %dma_start3A_125 = arith.constant 3 : i32
    %dma_start3A_126 = arith.constant 0 : i32
    %dma_start3A_127 = arith.constant 0 : i32
    %dma_start3A_128 = tpu.memref_slice %arg8[%dma_start3A_125, %dma_start3A_126, %dma_start3A_127] : memref<4x5x1024xf32, #tpu.memory_space<vmem>> -> memref<1x5x1024xf32, #tpu.memory_space<vmem>>
    %dma_start3A_129 = tpu.memref_squeeze %dma_start3A_128 : memref<1x5x1024xf32, #tpu.memory_space<vmem>> -> memref<5x1024xf32, #tpu.memory_space<vmem>>
    %dma_start3A_130 = arith.constant 9504 : i32
    %dma_start3A_131 = arith.constant 0 : i32
    %dma_start3A_132 = tpu.memref_slice %arg0[%dma_start3A_124, %dma_start3A_130, %dma_start3A_131] : memref<4x9509x1024xf32, #tpu.memory_space<any>> -> memref<1x5x1024xf32, #tpu.memory_space<any>>
    %dma_start3A_133 = tpu.memref_squeeze %dma_start3A_132 : memref<1x5x1024xf32, #tpu.memory_space<any>> -> memref<5x1024xf32, #tpu.memory_space<any>>
    tpu.enqueue_dma source(%dma_start3A_133 : memref<5x1024xf32, #tpu.memory_space<any>>) target(%dma_start3A_129 : memref<5x1024xf32, #tpu.memory_space<vmem>>) target_semaphore(%arg18 : memref<!tpu.dma_semaphore, #tpu.memory_space<semaphore_mem>>)
    %dma_start3A_134 = arith.constant 0 : i32
    %dma_start3A_135 = arith.constant 0 : i32
    %dma_start3A_136 = tpu.memref_slice %arg15[%dma_start3A_135] : memref<2x!tpu.dma_semaphore, #tpu.memory_space<semaphore_mem>> -> memref<1x!tpu.dma_semaphore, #tpu.memory_space<semaphore_mem>>
    %dma_start3A_137 = tpu.memref_squeeze %dma_start3A_136 : memref<1x!tpu.dma_semaphore, #tpu.memory_space<semaphore_mem>> -> memref<!tpu.dma_semaphore, #tpu.memory_space<semaphore_mem>>
    %dma_start3A_138 = arith.constant 0 : i32
    %dma_start3A_139 = arith.constant 0 : i32
    %dma_start3A_140 = tpu.memref_slice %arg6[%dma_start3A_134, %dma_start3A_138, %dma_start3A_139] : memref<2x2056x1024xf32, #tpu.memory_space<vmem>> -> memref<1x1280x1024xf32, #tpu.memory_space<vmem>>
    %dma_start3A_141 = tpu.memref_squeeze %dma_start3A_140 : memref<1x1280x1024xf32, #tpu.memory_space<vmem>> -> memref<1280x1024xf32, #tpu.memory_space<vmem>>
    %dma_start3A_142 = arith.constant 8224 : i32
    %dma_start3A_143 = arith.constant 0 : i32
    %dma_start3A_144 = tpu.memref_slice %arg1[%dma_start3A_142, %dma_start3A_143] : memref<9509x1024xf32, #tpu.memory_space<any>> -> memref<1280x1024xf32, #tpu.memory_space<any>>
    tpu.enqueue_dma source(%dma_start3A_144 : memref<1280x1024xf32, #tpu.memory_space<any>>) target(%dma_start3A_141 : memref<1280x1024xf32, #tpu.memory_space<vmem>>) target_semaphore(%dma_start3A_137 : memref<!tpu.dma_semaphore, #tpu.memory_space<semaphore_mem>>)
    %dma_start3A_145 = arith.constant 0 : i32
    %dma_start3A_146 = arith.constant 0 : i32
    %dma_start3A_147 = arith.constant 0 : i32
    %dma_start3A_148 = tpu.memref_slice %arg14[%dma_start3A_147] : memref<2x!tpu.dma_semaphore, #tpu.memory_space<semaphore_mem>> -> memref<1x!tpu.dma_semaphore, #tpu.memory_space<semaphore_mem>>
    %dma_start3A_149 = tpu.memref_squeeze %dma_start3A_148 : memref<1x!tpu.dma_semaphore, #tpu.memory_space<semaphore_mem>> -> memref<!tpu.dma_semaphore, #tpu.memory_space<semaphore_mem>>
    %dma_start3A_150 = arith.constant 0 : i32
    %dma_start3A_151 = arith.constant 0 : i32
    %dma_start3A_152 = tpu.memref_slice %arg5[%dma_start3A_146, %dma_start3A_150, %dma_start3A_151] : memref<2x2056x1024xf32, #tpu.memory_space<vmem>> -> memref<1x1280x1024xf32, #tpu.memory_space<vmem>>
    %dma_start3A_153 = tpu.memref_squeeze %dma_start3A_152 : memref<1x1280x1024xf32, #tpu.memory_space<vmem>> -> memref<1280x1024xf32, #tpu.memory_space<vmem>>
    %dma_start3A_154 = arith.constant 8224 : i32
    %dma_start3A_155 = arith.constant 0 : i32
    %dma_start3A_156 = tpu.memref_slice %arg0[%dma_start3A_145, %dma_start3A_154, %dma_start3A_155] : memref<4x9509x1024xf32, #tpu.memory_space<any>> -> memref<1x1280x1024xf32, #tpu.memory_space<any>>
    %dma_start3A_157 = tpu.memref_squeeze %dma_start3A_156 : memref<1x1280x1024xf32, #tpu.memory_space<any>> -> memref<1280x1024xf32, #tpu.memory_space<any>>
    tpu.enqueue_dma source(%dma_start3A_157 : memref<1280x1024xf32, #tpu.memory_space<any>>) target(%dma_start3A_153 : memref<1280x1024xf32, #tpu.memory_space<vmem>>) target_semaphore(%dma_start3A_149 : memref<!tpu.dma_semaphore, #tpu.memory_space<semaphore_mem>>)
    %dma_start3A_158 = arith.constant 1 : i32
    %dma_start3A_159 = arith.constant 1 : i32
    %dma_start3A_160 = arith.constant 1 : i32
    %dma_start3A_161 = tpu.memref_slice %arg14[%dma_start3A_160] : memref<2x!tpu.dma_semaphore, #tpu.memory_space<semaphore_mem>> -> memref<1x!tpu.dma_semaphore, #tpu.memory_space<semaphore_mem>>
    %dma_start3A_162 = tpu.memref_squeeze %dma_start3A_161 : memref<1x!tpu.dma_semaphore, #tpu.memory_space<semaphore_mem>> -> memref<!tpu.dma_semaphore, #tpu.memory_space<semaphore_mem>>
    %dma_start3A_163 = arith.constant 0 : i32
    %dma_start3A_164 = arith.constant 0 : i32
    %dma_start3A_165 = tpu.memref_slice %arg5[%dma_start3A_159, %dma_start3A_163, %dma_start3A_164] : memref<2x2056x1024xf32, #tpu.memory_space<vmem>> -> memref<1x1280x1024xf32, #tpu.memory_space<vmem>>
    %dma_start3A_166 = tpu.memref_squeeze %dma_start3A_165 : memref<1x1280x1024xf32, #tpu.memory_space<vmem>> -> memref<1280x1024xf32, #tpu.memory_space<vmem>>
    %dma_start3A_167 = arith.constant 8224 : i32
    %dma_start3A_168 = arith.constant 0 : i32
    %dma_start3A_169 = tpu.memref_slice %arg0[%dma_start3A_158, %dma_start3A_167, %dma_start3A_168] : memref<4x9509x1024xf32, #tpu.memory_space<any>> -> memref<1x1280x1024xf32, #tpu.memory_space<any>>
    %dma_start3A_170 = tpu.memref_squeeze %dma_start3A_169 : memref<1x1280x1024xf32, #tpu.memory_space<any>> -> memref<1280x1024xf32, #tpu.memory_space<any>>
    tpu.enqueue_dma source(%dma_start3A_170 : memref<1280x1024xf32, #tpu.memory_space<any>>) target(%dma_start3A_166 : memref<1280x1024xf32, #tpu.memory_space<vmem>>) target_semaphore(%dma_start3A_162 : memref<!tpu.dma_semaphore, #tpu.memory_space<semaphore_mem>>)
    %dma_wait3A_171 = arith.constant 0 : i32
    %dma_wait3A_172 = arith.constant 0 : i32
    %dma_wait3A_173 = tpu.memref_slice %arg15[%dma_wait3A_172] : memref<2x!tpu.dma_semaphore, #tpu.memory_space<semaphore_mem>> -> memref<1x!tpu.dma_semaphore, #tpu.memory_space<semaphore_mem>>
    %dma_wait3A_174 = tpu.memref_squeeze %dma_wait3A_173 : memref<1x!tpu.dma_semaphore, #tpu.memory_space<semaphore_mem>> -> memref<!tpu.dma_semaphore, #tpu.memory_space<semaphore_mem>>
    %dma_wait3A_175 = arith.constant 0 : i32
    %dma_wait3A_176 = arith.constant 0 : i32
    %dma_wait3A_177 = tpu.memref_slice %arg6[%dma_wait3A_171, %dma_wait3A_175, %dma_wait3A_176] : memref<2x2056x1024xf32, #tpu.memory_space<vmem>> -> memref<1x1280x1024xf32, #tpu.memory_space<vmem>>
    %dma_wait3A_178 = tpu.memref_squeeze %dma_wait3A_177 : memref<1x1280x1024xf32, #tpu.memory_space<vmem>> -> memref<1280x1024xf32, #tpu.memory_space<vmem>>
    %dma_wait3A_179 = arith.constant 8224 : i32
    %dma_wait3A_180 = arith.constant 0 : i32
    %dma_wait3A_181 = tpu.memref_slice %arg1[%dma_wait3A_179, %dma_wait3A_180] : memref<9509x1024xf32, #tpu.memory_space<any>> -> memref<1280x1024xf32, #tpu.memory_space<any>>
    tpu.wait_dma2 semaphore(%dma_wait3A_174 : memref<!tpu.dma_semaphore, #tpu.memory_space<semaphore_mem>>) src(%dma_wait3A_181 : memref<1280x1024xf32, #tpu.memory_space<any>>) dst(%dma_wait3A_178 : memref<1280x1024xf32, #tpu.memory_space<vmem>>)
    %scan3A_182 = arith.constant 0 : i32
    %scan3A_183 = arith.constant 4 : i32
    %scan3A_184 = arith.addi %scan3A_182, %scan3A_183 : i32
    %scan3A_185 = arith.constant 1 : i32
    scf.for %scan3A_412 = %scan3A_182 to %scan3A_184 step %scan3A_185  : i32 {
      %jit3A = arith.constant 2 : i32
      %eq3A = arith.constant 0 : i32
      %eq3A_413 = arith.cmpi eq, %jit3A, %eq3A : i32
      %jit3A_414 = arith.constant 1 : i32
      %select_n3A = arith.select %eq3A_413, %jit3A_414, %jit3A : i32
      %rem3A = arith.remsi %scan3A_412, %select_n3A : i32
      %ne3A = arith.constant 0 : i32
      %ne3A_415 = arith.cmpi ne, %rem3A, %ne3A : i32
      %lt3A = arith.constant 0 : i32
      %lt3A_416 = arith.cmpi slt, %rem3A, %lt3A : i32
      %lt3A_417 = arith.constant 0 : i32
      %lt3A_418 = arith.cmpi slt, %select_n3A, %lt3A_417 : i32
      %ne3A_419 = arith.xori %lt3A_416, %lt3A_418 : i1
      %and3A = arith.andi %ne3A_419, %ne3A_415 : i1
      %add3A_420 = arith.addi %rem3A, %select_n3A : i32
      %select_n3A_421 = arith.select %and3A, %add3A_420, %rem3A : i32
      %dma_wait3A_422 = tpu.memref_slice %arg14[%select_n3A_421] : memref<2x!tpu.dma_semaphore, #tpu.memory_space<semaphore_mem>> -> memref<1x!tpu.dma_semaphore, #tpu.memory_space<semaphore_mem>>
      %dma_wait3A_423 = tpu.memref_squeeze %dma_wait3A_422 : memref<1x!tpu.dma_semaphore, #tpu.memory_space<semaphore_mem>> -> memref<!tpu.dma_semaphore, #tpu.memory_space<semaphore_mem>>
      %dma_wait3A_424 = arith.constant 0 : i32
      %dma_wait3A_425 = arith.constant 0 : i32
      %dma_wait3A_426 = tpu.memref_slice %arg5[%select_n3A_421, %dma_wait3A_424, %dma_wait3A_425] : memref<2x2056x1024xf32, #tpu.memory_space<vmem>> -> memref<1x1280x1024xf32, #tpu.memory_space<vmem>>
      %dma_wait3A_427 = tpu.memref_squeeze %dma_wait3A_426 : memref<1x1280x1024xf32, #tpu.memory_space<vmem>> -> memref<1280x1024xf32, #tpu.memory_space<vmem>>
      %dma_wait3A_428 = arith.constant 8224 : i32
      %dma_wait3A_429 = arith.constant 0 : i32
      %dma_wait3A_430 = tpu.memref_slice %arg0[%scan3A_412, %dma_wait3A_428, %dma_wait3A_429] : memref<4x9509x1024xf32, #tpu.memory_space<any>> -> memref<1x1280x1024xf32, #tpu.memory_space<any>>
      %dma_wait3A_431 = tpu.memref_squeeze %dma_wait3A_430 : memref<1x1280x1024xf32, #tpu.memory_space<any>> -> memref<1280x1024xf32, #tpu.memory_space<any>>
      tpu.wait_dma2 semaphore(%dma_wait3A_423 : memref<!tpu.dma_semaphore, #tpu.memory_space<semaphore_mem>>) src(%dma_wait3A_431 : memref<1280x1024xf32, #tpu.memory_space<any>>) dst(%dma_wait3A_427 : memref<1280x1024xf32, #tpu.memory_space<vmem>>)
      %ge3A = arith.constant 2 : i32
      %ge3A_432 = arith.cmpi sge, %scan3A_412, %ge3A : i32
      %convert_element_type3A = arith.extui %ge3A_432 : i1 to i32
      %cond3A = arith.constant 0 : i32
      %cond3A_433 = arith.cmpi ne, %convert_element_type3A, %cond3A : i32
      scf.if %cond3A_433 {
        %sub3A = arith.constant 2 : i32
        %sub3A_543 = arith.subi %scan3A_412, %sub3A : i32
        %dma_wait3A_544 = tpu.memref_slice %arg16[%select_n3A_421] : memref<2x!tpu.dma_semaphore, #tpu.memory_space<semaphore_mem>> -> memref<1x!tpu.dma_semaphore, #tpu.memory_space<semaphore_mem>>
        %dma_wait3A_545 = tpu.memref_squeeze %dma_wait3A_544 : memref<1x!tpu.dma_semaphore, #tpu.memory_space<semaphore_mem>> -> memref<!tpu.dma_semaphore, #tpu.memory_space<semaphore_mem>>
        %dma_wait3A_546 = arith.constant 8224 : i32
        %dma_wait3A_547 = arith.constant 0 : i32
        %dma_wait3A_548 = tpu.memref_slice %arg4[%sub3A_543, %dma_wait3A_546, %dma_wait3A_547] : memref<4x9509x1024xf32, #tpu.memory_space<any>> -> memref<1x1280x1024xf32, #tpu.memory_space<any>>
        %dma_wait3A_549 = tpu.memref_squeeze %dma_wait3A_548 : memref<1x1280x1024xf32, #tpu.memory_space<any>> -> memref<1280x1024xf32, #tpu.memory_space<any>>
        %dma_wait3A_550 = arith.constant 0 : i32
        %dma_wait3A_551 = arith.constant 0 : i32
        %dma_wait3A_552 = tpu.memref_slice %arg7[%select_n3A_421, %dma_wait3A_550, %dma_wait3A_551] : memref<2x2056x1024xf32, #tpu.memory_space<vmem>> -> memref<1x1280x1024xf32, #tpu.memory_space<vmem>>
        %dma_wait3A_553 = tpu.memref_squeeze %dma_wait3A_552 : memref<1x1280x1024xf32, #tpu.memory_space<vmem>> -> memref<1280x1024xf32, #tpu.memory_space<vmem>>
        tpu.wait_dma2 semaphore(%dma_wait3A_545 : memref<!tpu.dma_semaphore, #tpu.memory_space<semaphore_mem>>) src(%dma_wait3A_553 : memref<1280x1024xf32, #tpu.memory_space<vmem>>) dst(%dma_wait3A_549 : memref<1280x1024xf32, #tpu.memory_space<any>>)
      } else {
      }
      %get3A_434 = arith.index_cast %select_n3A_421 : i32 to index
      %get3A_435 = arith.constant 0 : index
      %get3A_436 = arith.constant 0 : index
      %get3A_437 = vector.load %arg5[%get3A_434, %get3A_435, %get3A_436] : memref<2x2056x1024xf32, #tpu.memory_space<vmem>>, vector<1x1280x1024xf32>
      %get3A_438 = vector.shape_cast %get3A_437 : vector<1x1280x1024xf32> to vector<1280x1024xf32>
      %get3A_439 = arith.constant 0 : index
      %get3A_440 = arith.constant 0 : index
      %get3A_441 = arith.constant 0 : index
      %get3A_442 = vector.load %arg6[%get3A_439, %get3A_440, %get3A_441] : memref<2x2056x1024xf32, #tpu.memory_space<vmem>>, vector<1x1280x1024xf32>
      %get3A_443 = vector.shape_cast %get3A_442 : vector<1x1280x1024xf32> to vector<1280x1024xf32>
      %add3A_444 = arith.addf %get3A_438, %get3A_443 : vector<1280x1024xf32>
      %swap3A_445 = arith.index_cast %select_n3A_421 : i32 to index
      %swap3A_446 = arith.constant 0 : index
      %swap3A_447 = arith.constant 0 : index
      %swap3A_448 = vector.load %arg7[%swap3A_445, %swap3A_446, %swap3A_447] : memref<2x2056x1024xf32, #tpu.memory_space<vmem>>, vector<1x1280x1024xf32>
      %swap3A_449 = vector.shape_cast %swap3A_448 : vector<1x1280x1024xf32> to vector<1280x1024xf32>
      %swap3A_450 = vector.shape_cast %add3A_444 : vector<1280x1024xf32> to vector<1x1280x1024xf32>
      tpu.vector_store %arg7[%swap3A_445, %swap3A_446, %swap3A_447], %swap3A_450 {strides = array<i32>} : memref<2x2056x1024xf32, #tpu.memory_space<vmem>>, vector<1x1280x1024xf32>,
      %get3A_451 = arith.index_cast %select_n3A_421 : i32 to index
      %get3A_452 = arith.constant 0 : index
      %get3A_453 = arith.constant 0 : index
      %get3A_454 = vector.load %arg7[%get3A_451, %get3A_452, %get3A_453] : memref<2x2056x1024xf32, #tpu.memory_space<vmem>>, vector<1x257x1024xf32>
      %get3A_455 = vector.shape_cast %get3A_454 : vector<1x257x1024xf32> to vector<257x1024xf32>
      %get3A_456 = arith.constant 0 : index
      %get3A_457 = arith.constant 0 : index
      %get3A_458 = vector.load %arg11[%get3A_456, %get3A_457] : memref<257x1024xf32, #tpu.memory_space<vmem>>, vector<257x1024xf32>
      %add3A_459 = arith.addf %get3A_455, %get3A_458 : vector<257x1024xf32>
      %swap3A_460 = arith.index_cast %select_n3A_421 : i32 to index
      %swap3A_461 = arith.constant 0 : index
      %swap3A_462 = arith.constant 0 : index
      %swap3A_463 = vector.load %arg7[%swap3A_460, %swap3A_461, %swap3A_462] : memref<2x2056x1024xf32, #tpu.memory_space<vmem>>, vector<1x257x1024xf32>
      %swap3A_464 = vector.shape_cast %swap3A_463 : vector<1x257x1024xf32> to vector<257x1024xf32>
      %swap3A_465 = vector.shape_cast %add3A_459 : vector<257x1024xf32> to vector<1x257x1024xf32>
      tpu.vector_store %arg7[%swap3A_460, %swap3A_461, %swap3A_462], %swap3A_465 {strides = array<i32>} : memref<2x2056x1024xf32, #tpu.memory_space<vmem>>, vector<1x257x1024xf32>,
      %get3A_466 = arith.index_cast %select_n3A_421 : i32 to index
      %get3A_467 = arith.constant 257 : index
      %get3A_468 = arith.constant 0 : index
      %get3A_469 = vector.load %arg7[%get3A_466, %get3A_467, %get3A_468] : memref<2x2056x1024xf32, #tpu.memory_space<vmem>>, vector<1x257x1024xf32>
      %get3A_470 = vector.shape_cast %get3A_469 : vector<1x257x1024xf32> to vector<257x1024xf32>
      %get3A_471 = arith.constant 0 : index
      %get3A_472 = arith.constant 0 : index
      %get3A_473 = vector.load %arg11[%get3A_471, %get3A_472] : memref<257x1024xf32, #tpu.memory_space<vmem>>, vector<257x1024xf32>
      %add3A_474 = arith.addf %get3A_470, %get3A_473 : vector<257x1024xf32>
      %swap3A_475 = arith.index_cast %select_n3A_421 : i32 to index
      %swap3A_476 = arith.constant 257 : index
      %swap3A_477 = arith.constant 0 : index
      %swap3A_478 = vector.load %arg7[%swap3A_475, %swap3A_476, %swap3A_477] : memref<2x2056x1024xf32, #tpu.memory_space<vmem>>, vector<1x257x1024xf32>
      %swap3A_479 = vector.shape_cast %swap3A_478 : vector<1x257x1024xf32> to vector<257x1024xf32>
      %swap3A_480 = vector.shape_cast %add3A_474 : vector<257x1024xf32> to vector<1x257x1024xf32>
      tpu.vector_store %arg7[%swap3A_475, %swap3A_476, %swap3A_477], %swap3A_480 {strides = array<i32>} : memref<2x2056x1024xf32, #tpu.memory_space<vmem>>, vector<1x257x1024xf32>,
      %get3A_481 = arith.index_cast %select_n3A_421 : i32 to index
      %get3A_482 = arith.constant 514 : index
      %get3A_483 = arith.constant 0 : index
      %get3A_484 = vector.load %arg7[%get3A_481, %get3A_482, %get3A_483] : memref<2x2056x1024xf32, #tpu.memory_space<vmem>>, vector<1x257x1024xf32>
      %get3A_485 = vector.shape_cast %get3A_484 : vector<1x257x1024xf32> to vector<257x1024xf32>
      %get3A_486 = arith.constant 0 : index
      %get3A_487 = arith.constant 0 : index
      %get3A_488 = vector.load %arg11[%get3A_486, %get3A_487] : memref<257x1024xf32, #tpu.memory_space<vmem>>, vector<257x1024xf32>
      %add3A_489 = arith.addf %get3A_485, %get3A_488 : vector<257x1024xf32>
      %swap3A_490 = arith.index_cast %select_n3A_421 : i32 to index
      %swap3A_491 = arith.constant 514 : index
      %swap3A_492 = arith.constant 0 : index
      %swap3A_493 = vector.load %arg7[%swap3A_490, %swap3A_491, %swap3A_492] : memref<2x2056x1024xf32, #tpu.memory_space<vmem>>, vector<1x257x1024xf32>
      %swap3A_494 = vector.shape_cast %swap3A_493 : vector<1x257x1024xf32> to vector<257x1024xf32>
      %swap3A_495 = vector.shape_cast %add3A_489 : vector<257x1024xf32> to vector<1x257x1024xf32>
      tpu.vector_store %arg7[%swap3A_490, %swap3A_491, %swap3A_492], %swap3A_495 {strides = array<i32>} : memref<2x2056x1024xf32, #tpu.memory_space<vmem>>, vector<1x257x1024xf32>,
      %get3A_496 = arith.index_cast %select_n3A_421 : i32 to index
      %get3A_497 = arith.constant 771 : index
      %get3A_498 = arith.constant 0 : index
      %get3A_499 = vector.load %arg7[%get3A_496, %get3A_497, %get3A_498] : memref<2x2056x1024xf32, #tpu.memory_space<vmem>>, vector<1x257x1024xf32>
      %get3A_500 = vector.shape_cast %get3A_499 : vector<1x257x1024xf32> to vector<257x1024xf32>
      %get3A_501 = arith.constant 0 : index
      %get3A_502 = arith.constant 0 : index
      %get3A_503 = vector.load %arg11[%get3A_501, %get3A_502] : memref<257x1024xf32, #tpu.memory_space<vmem>>, vector<257x1024xf32>
      %add3A_504 = arith.addf %get3A_500, %get3A_503 : vector<257x1024xf32>
      %swap3A_505 = arith.index_cast %select_n3A_421 : i32 to index
      %swap3A_506 = arith.constant 771 : index
      %swap3A_507 = arith.constant 0 : index
      %swap3A_508 = vector.load %arg7[%swap3A_505, %swap3A_506, %swap3A_507] : memref<2x2056x1024xf32, #tpu.memory_space<vmem>>, vector<1x257x1024xf32>
      %swap3A_509 = vector.shape_cast %swap3A_508 : vector<1x257x1024xf32> to vector<257x1024xf32>
      %swap3A_510 = vector.shape_cast %add3A_504 : vector<257x1024xf32> to vector<1x257x1024xf32>
      tpu.vector_store %arg7[%swap3A_505, %swap3A_506, %swap3A_507], %swap3A_510 {strides = array<i32>} : memref<2x2056x1024xf32, #tpu.memory_space<vmem>>, vector<1x257x1024xf32>,
      %get3A_511 = arith.index_cast %select_n3A_421 : i32 to index
      %get3A_512 = arith.constant 1028 : index
      %get3A_513 = arith.constant 0 : index
      %get3A_514 = vector.load %arg7[%get3A_511, %get3A_512, %get3A_513] : memref<2x2056x1024xf32, #tpu.memory_space<vmem>>, vector<1x252x1024xf32>
      %get3A_515 = vector.shape_cast %get3A_514 : vector<1x252x1024xf32> to vector<252x1024xf32>
      %get3A_516 = arith.constant 0 : index
      %get3A_517 = arith.constant 0 : index
      %get3A_518 = vector.load %arg11[%get3A_516, %get3A_517] : memref<257x1024xf32, #tpu.memory_space<vmem>>, vector<252x1024xf32>
      %add3A_519 = arith.addf %get3A_515, %get3A_518 : vector<252x1024xf32>
      %swap3A_520 = arith.index_cast %select_n3A_421 : i32 to index
      %swap3A_521 = arith.constant 1028 : index
      %swap3A_522 = arith.constant 0 : index
      %swap3A_523 = vector.load %arg7[%swap3A_520, %swap3A_521, %swap3A_522] : memref<2x2056x1024xf32, #tpu.memory_space<vmem>>, vector<1x252x1024xf32>
      %swap3A_524 = vector.shape_cast %swap3A_523 : vector<1x252x1024xf32> to vector<252x1024xf32>
      %swap3A_525 = vector.shape_cast %add3A_519 : vector<252x1024xf32> to vector<1x252x1024xf32>
      tpu.vector_store %arg7[%swap3A_520, %swap3A_521, %swap3A_522], %swap3A_525 {strides = array<i32>} : memref<2x2056x1024xf32, #tpu.memory_space<vmem>>, vector<1x252x1024xf32>,
      %dma_start3A_526 = tpu.memref_slice %arg16[%select_n3A_421] : memref<2x!tpu.dma_semaphore, #tpu.memory_space<semaphore_mem>> -> memref<1x!tpu.dma_semaphore, #tpu.memory_space<semaphore_mem>>
      %dma_start3A_527 = tpu.memref_squeeze %dma_start3A_526 : memref<1x!tpu.dma_semaphore, #tpu.memory_space<semaphore_mem>> -> memref<!tpu.dma_semaphore, #tpu.memory_space<semaphore_mem>>
      %dma_start3A_528 = arith.constant 8224 : i32
      %dma_start3A_529 = arith.constant 0 : i32
      %dma_start3A_530 = tpu.memref_slice %arg4[%scan3A_412, %dma_start3A_528, %dma_start3A_529] : memref<4x9509x1024xf32, #tpu.memory_space<any>> -> memref<1x1280x1024xf32, #tpu.memory_space<any>>
      %dma_start3A_531 = tpu.memref_squeeze %dma_start3A_530 : memref<1x1280x1024xf32, #tpu.memory_space<any>> -> memref<1280x1024xf32, #tpu.memory_space<any>>
      %dma_start3A_532 = arith.constant 0 : i32
      %dma_start3A_533 = arith.constant 0 : i32
      %dma_start3A_534 = tpu.memref_slice %arg7[%select_n3A_421, %dma_start3A_532, %dma_start3A_533] : memref<2x2056x1024xf32, #tpu.memory_space<vmem>> -> memref<1x1280x1024xf32, #tpu.memory_space<vmem>>
      %dma_start3A_535 = tpu.memref_squeeze %dma_start3A_534 : memref<1x1280x1024xf32, #tpu.memory_space<vmem>> -> memref<1280x1024xf32, #tpu.memory_space<vmem>>
      tpu.enqueue_dma source(%dma_start3A_535 : memref<1280x1024xf32, #tpu.memory_space<vmem>>) target(%dma_start3A_531 : memref<1280x1024xf32, #tpu.memory_space<any>>) target_semaphore(%dma_start3A_527 : memref<!tpu.dma_semaphore, #tpu.memory_space<semaphore_mem>>)
      %add3A_536 = arith.constant 2 : i32
      %add3A_537 = arith.addi %scan3A_412, %add3A_536 : i32
      %lt3A_538 = arith.constant 4 : i32
      %lt3A_539 = arith.cmpi slt, %add3A_537, %lt3A_538 : i32
      %convert_element_type3A_540 = arith.extui %lt3A_539 : i1 to i32
      %cond3A_541 = arith.constant 0 : i32
      %cond3A_542 = arith.cmpi ne, %convert_element_type3A_540, %cond3A_541 : i32
      scf.if %cond3A_542 {
        %add3A_543 = arith.constant 2 : i32
        %add3A_544 = arith.addi %scan3A_412, %add3A_543 : i32
        %dma_start3A_545 = tpu.memref_slice %arg14[%select_n3A_421] : memref<2x!tpu.dma_semaphore, #tpu.memory_space<semaphore_mem>> -> memref<1x!tpu.dma_semaphore, #tpu.memory_space<semaphore_mem>>
        %dma_start3A_546 = tpu.memref_squeeze %dma_start3A_545 : memref<1x!tpu.dma_semaphore, #tpu.memory_space<semaphore_mem>> -> memref<!tpu.dma_semaphore, #tpu.memory_space<semaphore_mem>>
        %dma_start3A_547 = arith.constant 0 : i32
        %dma_start3A_548 = arith.constant 0 : i32
        %dma_start3A_549 = tpu.memref_slice %arg5[%select_n3A_421, %dma_start3A_547, %dma_start3A_548] : memref<2x2056x1024xf32, #tpu.memory_space<vmem>> -> memref<1x1280x1024xf32, #tpu.memory_space<vmem>>
        %dma_start3A_550 = tpu.memref_squeeze %dma_start3A_549 : memref<1x1280x1024xf32, #tpu.memory_space<vmem>> -> memref<1280x1024xf32, #tpu.memory_space<vmem>>
        %dma_start3A_551 = arith.constant 8224 : i32
        %dma_start3A_552 = arith.constant 0 : i32
        %dma_start3A_553 = tpu.memref_slice %arg0[%add3A_544, %dma_start3A_551, %dma_start3A_552] : memref<4x9509x1024xf32, #tpu.memory_space<any>> -> memref<1x1280x1024xf32, #tpu.memory_space<any>>
        %dma_start3A_554 = tpu.memref_squeeze %dma_start3A_553 : memref<1x1280x1024xf32, #tpu.memory_space<any>> -> memref<1280x1024xf32, #tpu.memory_space<any>>
        tpu.enqueue_dma source(%dma_start3A_554 : memref<1280x1024xf32, #tpu.memory_space<any>>) target(%dma_start3A_550 : memref<1280x1024xf32, #tpu.memory_space<vmem>>) target_semaphore(%dma_start3A_546 : memref<!tpu.dma_semaphore, #tpu.memory_space<semaphore_mem>>)
      } else {
      }
    }
    %scan3A_186 = arith.constant 4 : i32
    %dma_wait3A_187 = arith.constant 9504 : i32
    %dma_wait3A_188 = arith.constant 0 : i32
    %dma_wait3A_189 = tpu.memref_slice %arg1[%dma_wait3A_187, %dma_wait3A_188] : memref<9509x1024xf32, #tpu.memory_space<any>> -> memref<5x1024xf32, #tpu.memory_space<any>>
    tpu.wait_dma2 semaphore(%arg18 : memref<!tpu.dma_semaphore, #tpu.memory_space<semaphore_mem>>) src(%dma_wait3A_189 : memref<5x1024xf32, #tpu.memory_space<any>>) dst(%arg9 : memref<5x1024xf32, #tpu.memory_space<vmem>>)
    %dma_wait3A_190 = arith.constant 0 : i32
    %dma_wait3A_191 = arith.constant 0 : i32
    %dma_wait3A_192 = arith.constant 0 : i32
    %dma_wait3A_193 = arith.constant 0 : i32
    %dma_wait3A_194 = tpu.memref_slice %arg8[%dma_wait3A_191, %dma_wait3A_192, %dma_wait3A_193] : memref<4x5x1024xf32, #tpu.memory_space<vmem>> -> memref<1x5x1024xf32, #tpu.memory_space<vmem>>
    %dma_wait3A_195 = tpu.memref_squeeze %dma_wait3A_194 : memref<1x5x1024xf32, #tpu.memory_space<vmem>> -> memref<5x1024xf32, #tpu.memory_space<vmem>>
    %dma_wait3A_196 = arith.constant 9504 : i32
    %dma_wait3A_197 = arith.constant 0 : i32
    %dma_wait3A_198 = tpu.memref_slice %arg0[%dma_wait3A_190, %dma_wait3A_196, %dma_wait3A_197] : memref<4x9509x1024xf32, #tpu.memory_space<any>> -> memref<1x5x1024xf32, #tpu.memory_space<any>>
    %dma_wait3A_199 = tpu.memref_squeeze %dma_wait3A_198 : memref<1x5x1024xf32, #tpu.memory_space<any>> -> memref<5x1024xf32, #tpu.memory_space<any>>
    tpu.wait_dma2 semaphore(%arg18 : memref<!tpu.dma_semaphore, #tpu.memory_space<semaphore_mem>>) src(%dma_wait3A_199 : memref<5x1024xf32, #tpu.memory_space<any>>) dst(%dma_wait3A_195 : memref<5x1024xf32, #tpu.memory_space<vmem>>)
    %dma_wait3A_200 = arith.constant 1 : i32
    %dma_wait3A_201 = arith.constant 1 : i32
    %dma_wait3A_202 = arith.constant 0 : i32
    %dma_wait3A_203 = arith.constant 0 : i32
    %dma_wait3A_204 = tpu.memref_slice %arg8[%dma_wait3A_201, %dma_wait3A_202, %dma_wait3A_203] : memref<4x5x1024xf32, #tpu.memory_space<vmem>> -> memref<1x5x1024xf32, #tpu.memory_space<vmem>>
    %dma_wait3A_205 = tpu.memref_squeeze %dma_wait3A_204 : memref<1x5x1024xf32, #tpu.memory_space<vmem>> -> memref<5x1024xf32, #tpu.memory_space<vmem>>
    %dma_wait3A_206 = arith.constant 9504 : i32
    %dma_wait3A_207 = arith.constant 0 : i32
    %dma_wait3A_208 = tpu.memref_slice %arg0[%dma_wait3A_200, %dma_wait3A_206, %dma_wait3A_207] : memref<4x9509x1024xf32, #tpu.memory_space<any>> -> memref<1x5x1024xf32, #tpu.memory_space<any>>
    %dma_wait3A_209 = tpu.memref_squeeze %dma_wait3A_208 : memref<1x5x1024xf32, #tpu.memory_space<any>> -> memref<5x1024xf32, #tpu.memory_space<any>>
    tpu.wait_dma2 semaphore(%arg18 : memref<!tpu.dma_semaphore, #tpu.memory_space<semaphore_mem>>) src(%dma_wait3A_209 : memref<5x1024xf32, #tpu.memory_space<any>>) dst(%dma_wait3A_205 : memref<5x1024xf32, #tpu.memory_space<vmem>>)
    %dma_wait3A_210 = arith.constant 2 : i32
    %dma_wait3A_211 = arith.constant 2 : i32
    %dma_wait3A_212 = arith.constant 0 : i32
    %dma_wait3A_213 = arith.constant 0 : i32
    %dma_wait3A_214 = tpu.memref_slice %arg8[%dma_wait3A_211, %dma_wait3A_212, %dma_wait3A_213] : memref<4x5x1024xf32, #tpu.memory_space<vmem>> -> memref<1x5x1024xf32, #tpu.memory_space<vmem>>
    %dma_wait3A_215 = tpu.memref_squeeze %dma_wait3A_214 : memref<1x5x1024xf32, #tpu.memory_space<vmem>> -> memref<5x1024xf32, #tpu.memory_space<vmem>>
    %dma_wait3A_216 = arith.constant 9504 : i32
    %dma_wait3A_217 = arith.constant 0 : i32
    %dma_wait3A_218 = tpu.memref_slice %arg0[%dma_wait3A_210, %dma_wait3A_216, %dma_wait3A_217] : memref<4x9509x1024xf32, #tpu.memory_space<any>> -> memref<1x5x1024xf32, #tpu.memory_space<any>>
    %dma_wait3A_219 = tpu.memref_squeeze %dma_wait3A_218 : memref<1x5x1024xf32, #tpu.memory_space<any>> -> memref<5x1024xf32, #tpu.memory_space<any>>
    tpu.wait_dma2 semaphore(%arg18 : memref<!tpu.dma_semaphore, #tpu.memory_space<semaphore_mem>>) src(%dma_wait3A_219 : memref<5x1024xf32, #tpu.memory_space<any>>) dst(%dma_wait3A_215 : memref<5x1024xf32, #tpu.memory_space<vmem>>)
    %dma_wait3A_220 = arith.constant 3 : i32
    %dma_wait3A_221 = arith.constant 3 : i32
    %dma_wait3A_222 = arith.constant 0 : i32
    %dma_wait3A_223 = arith.constant 0 : i32
    %dma_wait3A_224 = tpu.memref_slice %arg8[%dma_wait3A_221, %dma_wait3A_222, %dma_wait3A_223] : memref<4x5x1024xf32, #tpu.memory_space<vmem>> -> memref<1x5x1024xf32, #tpu.memory_space<vmem>>
    %dma_wait3A_225 = tpu.memref_squeeze %dma_wait3A_224 : memref<1x5x1024xf32, #tpu.memory_space<vmem>> -> memref<5x1024xf32, #tpu.memory_space<vmem>>
    %dma_wait3A_226 = arith.constant 9504 : i32
    %dma_wait3A_227 = arith.constant 0 : i32
    %dma_wait3A_228 = tpu.memref_slice %arg0[%dma_wait3A_220, %dma_wait3A_226, %dma_wait3A_227] : memref<4x9509x1024xf32, #tpu.memory_space<any>> -> memref<1x5x1024xf32, #tpu.memory_space<any>>
    %dma_wait3A_229 = tpu.memref_squeeze %dma_wait3A_228 : memref<1x5x1024xf32, #tpu.memory_space<any>> -> memref<5x1024xf32, #tpu.memory_space<any>>
    tpu.wait_dma2 semaphore(%arg18 : memref<!tpu.dma_semaphore, #tpu.memory_space<semaphore_mem>>) src(%dma_wait3A_229 : memref<5x1024xf32, #tpu.memory_space<any>>) dst(%dma_wait3A_225 : memref<5x1024xf32, #tpu.memory_space<vmem>>)
    %get3A_230 = arith.constant 0 : index
    %get3A_231 = arith.constant 0 : index
    %get3A_232 = arith.constant 0 : index
    %get3A_233 = vector.load %arg8[%get3A_230, %get3A_231, %get3A_232] : memref<4x5x1024xf32, #tpu.memory_space<vmem>>, vector<1x5x1024xf32>
    %get3A_234 = vector.shape_cast %get3A_233 : vector<1x5x1024xf32> to vector<5x1024xf32>
    %get3A_235 = arith.constant 0 : index
    %get3A_236 = arith.constant 0 : index
    %get3A_237 = vector.load %arg9[%get3A_235, %get3A_236] : memref<5x1024xf32, #tpu.memory_space<vmem>>, vector<5x1024xf32>
    %add3A_238 = arith.addf %get3A_234, %get3A_237 : vector<5x1024xf32>
    %get3A_239 = arith.constant 252 : index
    %get3A_240 = arith.constant 0 : index
    %get3A_241 = vector.load %arg11[%get3A_239, %get3A_240] : memref<257x1024xf32, #tpu.memory_space<vmem>>, vector<5x1024xf32>
    %add3A_242 = arith.addf %add3A_238, %get3A_241 : vector<5x1024xf32>
    %swap3A_243 = arith.constant 0 : index
    %swap3A_244 = arith.constant 0 : index
    %swap3A_245 = arith.constant 0 : index
    %swap3A_246 = vector.load %arg10[%swap3A_243, %swap3A_244, %swap3A_245] : memref<4x5x1024xf32, #tpu.memory_space<vmem>>, vector<1x5x1024xf32>
    %swap3A_247 = vector.shape_cast %swap3A_246 : vector<1x5x1024xf32> to vector<5x1024xf32>
    %swap3A_248 = vector.shape_cast %add3A_242 : vector<5x1024xf32> to vector<1x5x1024xf32>
    tpu.vector_store %arg10[%swap3A_243, %swap3A_244, %swap3A_245], %swap3A_248 {strides = array<i32>} : memref<4x5x1024xf32, #tpu.memory_space<vmem>>, vector<1x5x1024xf32>,
    %get3A_249 = arith.constant 1 : index
    %get3A_250 = arith.constant 0 : index
    %get3A_251 = arith.constant 0 : index
    %get3A_252 = vector.load %arg8[%get3A_249, %get3A_250, %get3A_251] : memref<4x5x1024xf32, #tpu.memory_space<vmem>>, vector<1x5x1024xf32>
    %get3A_253 = vector.shape_cast %get3A_252 : vector<1x5x1024xf32> to vector<5x1024xf32>
    %get3A_254 = arith.constant 0 : index
    %get3A_255 = arith.constant 0 : index
    %get3A_256 = vector.load %arg9[%get3A_254, %get3A_255] : memref<5x1024xf32, #tpu.memory_space<vmem>>, vector<5x1024xf32>
    %add3A_257 = arith.addf %get3A_253, %get3A_256 : vector<5x1024xf32>
    %get3A_258 = arith.constant 252 : index
    %get3A_259 = arith.constant 0 : index
    %get3A_260 = vector.load %arg11[%get3A_258, %get3A_259] : memref<257x1024xf32, #tpu.memory_space<vmem>>, vector<5x1024xf32>
    %add3A_261 = arith.addf %add3A_257, %get3A_260 : vector<5x1024xf32>
    %swap3A_262 = arith.constant 1 : index
    %swap3A_263 = arith.constant 0 : index
    %swap3A_264 = arith.constant 0 : index
    %swap3A_265 = vector.load %arg10[%swap3A_262, %swap3A_263, %swap3A_264] : memref<4x5x1024xf32, #tpu.memory_space<vmem>>, vector<1x5x1024xf32>
    %swap3A_266 = vector.shape_cast %swap3A_265 : vector<1x5x1024xf32> to vector<5x1024xf32>
    %swap3A_267 = vector.shape_cast %add3A_261 : vector<5x1024xf32> to vector<1x5x1024xf32>
    tpu.vector_store %arg10[%swap3A_262, %swap3A_263, %swap3A_264], %swap3A_267 {strides = array<i32>} : memref<4x5x1024xf32, #tpu.memory_space<vmem>>, vector<1x5x1024xf32>,
    %get3A_268 = arith.constant 2 : index
    %get3A_269 = arith.constant 0 : index
    %get3A_270 = arith.constant 0 : index
    %get3A_271 = vector.load %arg8[%get3A_268, %get3A_269, %get3A_270] : memref<4x5x1024xf32, #tpu.memory_space<vmem>>, vector<1x5x1024xf32>
    %get3A_272 = vector.shape_cast %get3A_271 : vector<1x5x1024xf32> to vector<5x1024xf32>
    %get3A_273 = arith.constant 0 : index
    %get3A_274 = arith.constant 0 : index
    %get3A_275 = vector.load %arg9[%get3A_273, %get3A_274] : memref<5x1024xf32, #tpu.memory_space<vmem>>, vector<5x1024xf32>
    %add3A_276 = arith.addf %get3A_272, %get3A_275 : vector<5x1024xf32>
    %get3A_277 = arith.constant 252 : index
    %get3A_278 = arith.constant 0 : index
    %get3A_279 = vector.load %arg11[%get3A_277, %get3A_278] : memref<257x1024xf32, #tpu.memory_space<vmem>>, vector<5x1024xf32>
    %add3A_280 = arith.addf %add3A_276, %get3A_279 : vector<5x1024xf32>
    %swap3A_281 = arith.constant 2 : index
    %swap3A_282 = arith.constant 0 : index
    %swap3A_283 = arith.constant 0 : index
    %swap3A_284 = vector.load %arg10[%swap3A_281, %swap3A_282, %swap3A_283] : memref<4x5x1024xf32, #tpu.memory_space<vmem>>, vector<1x5x1024xf32>
    %swap3A_285 = vector.shape_cast %swap3A_284 : vector<1x5x1024xf32> to vector<5x1024xf32>
    %swap3A_286 = vector.shape_cast %add3A_280 : vector<5x1024xf32> to vector<1x5x1024xf32>
    tpu.vector_store %arg10[%swap3A_281, %swap3A_282, %swap3A_283], %swap3A_286 {strides = array<i32>} : memref<4x5x1024xf32, #tpu.memory_space<vmem>>, vector<1x5x1024xf32>,
    %get3A_287 = arith.constant 3 : index
    %get3A_288 = arith.constant 0 : index
    %get3A_289 = arith.constant 0 : index
    %get3A_290 = vector.load %arg8[%get3A_287, %get3A_288, %get3A_289] : memref<4x5x1024xf32, #tpu.memory_space<vmem>>, vector<1x5x1024xf32>
    %get3A_291 = vector.shape_cast %get3A_290 : vector<1x5x1024xf32> to vector<5x1024xf32>
    %get3A_292 = arith.constant 0 : index
    %get3A_293 = arith.constant 0 : index
    %get3A_294 = vector.load %arg9[%get3A_292, %get3A_293] : memref<5x1024xf32, #tpu.memory_space<vmem>>, vector<5x1024xf32>
    %add3A_295 = arith.addf %get3A_291, %get3A_294 : vector<5x1024xf32>
    %get3A_296 = arith.constant 252 : index
    %get3A_297 = arith.constant 0 : index
    %get3A_298 = vector.load %arg11[%get3A_296, %get3A_297] : memref<257x1024xf32, #tpu.memory_space<vmem>>, vector<5x1024xf32>
    %add3A_299 = arith.addf %add3A_295, %get3A_298 : vector<5x1024xf32>
    %swap3A_300 = arith.constant 3 : index
    %swap3A_301 = arith.constant 0 : index
    %swap3A_302 = arith.constant 0 : index
    %swap3A_303 = vector.load %arg10[%swap3A_300, %swap3A_301, %swap3A_302] : memref<4x5x1024xf32, #tpu.memory_space<vmem>>, vector<1x5x1024xf32>
    %swap3A_304 = vector.shape_cast %swap3A_303 : vector<1x5x1024xf32> to vector<5x1024xf32>
    %swap3A_305 = vector.shape_cast %add3A_299 : vector<5x1024xf32> to vector<1x5x1024xf32>
    tpu.vector_store %arg10[%swap3A_300, %swap3A_301, %swap3A_302], %swap3A_305 {strides = array<i32>} : memref<4x5x1024xf32, #tpu.memory_space<vmem>>, vector<1x5x1024xf32>,
    %dma_start3A_306 = arith.constant 0 : i32
    %dma_start3A_307 = arith.constant 0 : i32
    %dma_start3A_308 = arith.constant 9504 : i32
    %dma_start3A_309 = arith.constant 0 : i32
    %dma_start3A_310 = tpu.memref_slice %arg4[%dma_start3A_307, %dma_start3A_308, %dma_start3A_309] : memref<4x9509x1024xf32, #tpu.memory_space<any>> -> memref<1x5x1024xf32, #tpu.memory_space<any>>
    %dma_start3A_311 = tpu.memref_squeeze %dma_start3A_310 : memref<1x5x1024xf32, #tpu.memory_space<any>> -> memref<5x1024xf32, #tpu.memory_space<any>>
    %dma_start3A_312 = arith.constant 0 : i32
    %dma_start3A_313 = arith.constant 0 : i32
    %dma_start3A_314 = tpu.memref_slice %arg10[%dma_start3A_306, %dma_start3A_312, %dma_start3A_313] : memref<4x5x1024xf32, #tpu.memory_space<vmem>> -> memref<1x5x1024xf32, #tpu.memory_space<vmem>>
    %dma_start3A_315 = tpu.memref_squeeze %dma_start3A_314 : memref<1x5x1024xf32, #tpu.memory_space<vmem>> -> memref<5x1024xf32, #tpu.memory_space<vmem>>
    tpu.enqueue_dma source(%dma_start3A_315 : memref<5x1024xf32, #tpu.memory_space<vmem>>) target(%dma_start3A_311 : memref<5x1024xf32, #tpu.memory_space<any>>) target_semaphore(%arg18 : memref<!tpu.dma_semaphore, #tpu.memory_space<semaphore_mem>>)
    %dma_start3A_316 = arith.constant 1 : i32
    %dma_start3A_317 = arith.constant 1 : i32
    %dma_start3A_318 = arith.constant 9504 : i32
    %dma_start3A_319 = arith.constant 0 : i32
    %dma_start3A_320 = tpu.memref_slice %arg4[%dma_start3A_317, %dma_start3A_318, %dma_start3A_319] : memref<4x9509x1024xf32, #tpu.memory_space<any>> -> memref<1x5x1024xf32, #tpu.memory_space<any>>
    %dma_start3A_321 = tpu.memref_squeeze %dma_start3A_320 : memref<1x5x1024xf32, #tpu.memory_space<any>> -> memref<5x1024xf32, #tpu.memory_space<any>>
    %dma_start3A_322 = arith.constant 0 : i32
    %dma_start3A_323 = arith.constant 0 : i32
    %dma_start3A_324 = tpu.memref_slice %arg10[%dma_start3A_316, %dma_start3A_322, %dma_start3A_323] : memref<4x5x1024xf32, #tpu.memory_space<vmem>> -> memref<1x5x1024xf32, #tpu.memory_space<vmem>>
    %dma_start3A_325 = tpu.memref_squeeze %dma_start3A_324 : memref<1x5x1024xf32, #tpu.memory_space<vmem>> -> memref<5x1024xf32, #tpu.memory_space<vmem>>
    tpu.enqueue_dma source(%dma_start3A_325 : memref<5x1024xf32, #tpu.memory_space<vmem>>) target(%dma_start3A_321 : memref<5x1024xf32, #tpu.memory_space<any>>) target_semaphore(%arg18 : memref<!tpu.dma_semaphore, #tpu.memory_space<semaphore_mem>>)
    %dma_start3A_326 = arith.constant 2 : i32
    %dma_start3A_327 = arith.constant 2 : i32
    %dma_start3A_328 = arith.constant 9504 : i32
    %dma_start3A_329 = arith.constant 0 : i32
    %dma_start3A_330 = tpu.memref_slice %arg4[%dma_start3A_327, %dma_start3A_328, %dma_start3A_329] : memref<4x9509x1024xf32, #tpu.memory_space<any>> -> memref<1x5x1024xf32, #tpu.memory_space<any>>
    %dma_start3A_331 = tpu.memref_squeeze %dma_start3A_330 : memref<1x5x1024xf32, #tpu.memory_space<any>> -> memref<5x1024xf32, #tpu.memory_space<any>>
    %dma_start3A_332 = arith.constant 0 : i32
    %dma_start3A_333 = arith.constant 0 : i32
    %dma_start3A_334 = tpu.memref_slice %arg10[%dma_start3A_326, %dma_start3A_332, %dma_start3A_333] : memref<4x5x1024xf32, #tpu.memory_space<vmem>> -> memref<1x5x1024xf32, #tpu.memory_space<vmem>>
    %dma_start3A_335 = tpu.memref_squeeze %dma_start3A_334 : memref<1x5x1024xf32, #tpu.memory_space<vmem>> -> memref<5x1024xf32, #tpu.memory_space<vmem>>
    tpu.enqueue_dma source(%dma_start3A_335 : memref<5x1024xf32, #tpu.memory_space<vmem>>) target(%dma_start3A_331 : memref<5x1024xf32, #tpu.memory_space<any>>) target_semaphore(%arg18 : memref<!tpu.dma_semaphore, #tpu.memory_space<semaphore_mem>>)
    %dma_start3A_336 = arith.constant 3 : i32
    %dma_start3A_337 = arith.constant 3 : i32
    %dma_start3A_338 = arith.constant 9504 : i32
    %dma_start3A_339 = arith.constant 0 : i32
    %dma_start3A_340 = tpu.memref_slice %arg4[%dma_start3A_337, %dma_start3A_338, %dma_start3A_339] : memref<4x9509x1024xf32, #tpu.memory_space<any>> -> memref<1x5x1024xf32, #tpu.memory_space<any>>
    %dma_start3A_341 = tpu.memref_squeeze %dma_start3A_340 : memref<1x5x1024xf32, #tpu.memory_space<any>> -> memref<5x1024xf32, #tpu.memory_space<any>>
    %dma_start3A_342 = arith.constant 0 : i32
    %dma_start3A_343 = arith.constant 0 : i32
    %dma_start3A_344 = tpu.memref_slice %arg10[%dma_start3A_336, %dma_start3A_342, %dma_start3A_343] : memref<4x5x1024xf32, #tpu.memory_space<vmem>> -> memref<1x5x1024xf32, #tpu.memory_space<vmem>>
    %dma_start3A_345 = tpu.memref_squeeze %dma_start3A_344 : memref<1x5x1024xf32, #tpu.memory_space<vmem>> -> memref<5x1024xf32, #tpu.memory_space<vmem>>
    tpu.enqueue_dma source(%dma_start3A_345 : memref<5x1024xf32, #tpu.memory_space<vmem>>) target(%dma_start3A_341 : memref<5x1024xf32, #tpu.memory_space<any>>) target_semaphore(%arg18 : memref<!tpu.dma_semaphore, #tpu.memory_space<semaphore_mem>>)
    %dma_wait3A_346 = arith.constant 0 : i32
    %dma_wait3A_347 = arith.constant 0 : i32
    %dma_wait3A_348 = arith.constant 9504 : i32
    %dma_wait3A_349 = arith.constant 0 : i32
    %dma_wait3A_350 = tpu.memref_slice %arg4[%dma_wait3A_347, %dma_wait3A_348, %dma_wait3A_349] : memref<4x9509x1024xf32, #tpu.memory_space<any>> -> memref<1x5x1024xf32, #tpu.memory_space<any>>
    %dma_wait3A_351 = tpu.memref_squeeze %dma_wait3A_350 : memref<1x5x1024xf32, #tpu.memory_space<any>> -> memref<5x1024xf32, #tpu.memory_space<any>>
    %dma_wait3A_352 = arith.constant 0 : i32
    %dma_wait3A_353 = arith.constant 0 : i32
    %dma_wait3A_354 = tpu.memref_slice %arg10[%dma_wait3A_346, %dma_wait3A_352, %dma_wait3A_353] : memref<4x5x1024xf32, #tpu.memory_space<vmem>> -> memref<1x5x1024xf32, #tpu.memory_space<vmem>>
    %dma_wait3A_355 = tpu.memref_squeeze %dma_wait3A_354 : memref<1x5x1024xf32, #tpu.memory_space<vmem>> -> memref<5x1024xf32, #tpu.memory_space<vmem>>
    tpu.wait_dma2 semaphore(%arg18 : memref<!tpu.dma_semaphore, #tpu.memory_space<semaphore_mem>>) src(%dma_wait3A_355 : memref<5x1024xf32, #tpu.memory_space<vmem>>) dst(%dma_wait3A_351 : memref<5x1024xf32, #tpu.memory_space<any>>)
    %dma_wait3A_356 = arith.constant 1 : i32
    %dma_wait3A_357 = arith.constant 1 : i32
    %dma_wait3A_358 = arith.constant 9504 : i32
    %dma_wait3A_359 = arith.constant 0 : i32
    %dma_wait3A_360 = tpu.memref_slice %arg4[%dma_wait3A_357, %dma_wait3A_358, %dma_wait3A_359] : memref<4x9509x1024xf32, #tpu.memory_space<any>> -> memref<1x5x1024xf32, #tpu.memory_space<any>>
    %dma_wait3A_361 = tpu.memref_squeeze %dma_wait3A_360 : memref<1x5x1024xf32, #tpu.memory_space<any>> -> memref<5x1024xf32, #tpu.memory_space<any>>
    %dma_wait3A_362 = arith.constant 0 : i32
    %dma_wait3A_363 = arith.constant 0 : i32
    %dma_wait3A_364 = tpu.memref_slice %arg10[%dma_wait3A_356, %dma_wait3A_362, %dma_wait3A_363] : memref<4x5x1024xf32, #tpu.memory_space<vmem>> -> memref<1x5x1024xf32, #tpu.memory_space<vmem>>
    %dma_wait3A_365 = tpu.memref_squeeze %dma_wait3A_364 : memref<1x5x1024xf32, #tpu.memory_space<vmem>> -> memref<5x1024xf32, #tpu.memory_space<vmem>>
    tpu.wait_dma2 semaphore(%arg18 : memref<!tpu.dma_semaphore, #tpu.memory_space<semaphore_mem>>) src(%dma_wait3A_365 : memref<5x1024xf32, #tpu.memory_space<vmem>>) dst(%dma_wait3A_361 : memref<5x1024xf32, #tpu.memory_space<any>>)
    %dma_wait3A_366 = arith.constant 2 : i32
    %dma_wait3A_367 = arith.constant 2 : i32
    %dma_wait3A_368 = arith.constant 9504 : i32
    %dma_wait3A_369 = arith.constant 0 : i32
    %dma_wait3A_370 = tpu.memref_slice %arg4[%dma_wait3A_367, %dma_wait3A_368, %dma_wait3A_369] : memref<4x9509x1024xf32, #tpu.memory_space<any>> -> memref<1x5x1024xf32, #tpu.memory_space<any>>
    %dma_wait3A_371 = tpu.memref_squeeze %dma_wait3A_370 : memref<1x5x1024xf32, #tpu.memory_space<any>> -> memref<5x1024xf32, #tpu.memory_space<any>>
    %dma_wait3A_372 = arith.constant 0 : i32
    %dma_wait3A_373 = arith.constant 0 : i32
    %dma_wait3A_374 = tpu.memref_slice %arg10[%dma_wait3A_366, %dma_wait3A_372, %dma_wait3A_373] : memref<4x5x1024xf32, #tpu.memory_space<vmem>> -> memref<1x5x1024xf32, #tpu.memory_space<vmem>>
    %dma_wait3A_375 = tpu.memref_squeeze %dma_wait3A_374 : memref<1x5x1024xf32, #tpu.memory_space<vmem>> -> memref<5x1024xf32, #tpu.memory_space<vmem>>
    tpu.wait_dma2 semaphore(%arg18 : memref<!tpu.dma_semaphore, #tpu.memory_space<semaphore_mem>>) src(%dma_wait3A_375 : memref<5x1024xf32, #tpu.memory_space<vmem>>) dst(%dma_wait3A_371 : memref<5x1024xf32, #tpu.memory_space<any>>)
    %dma_wait3A_376 = arith.constant 3 : i32
    %dma_wait3A_377 = arith.constant 3 : i32
    %dma_wait3A_378 = arith.constant 9504 : i32
    %dma_wait3A_379 = arith.constant 0 : i32
    %dma_wait3A_380 = tpu.memref_slice %arg4[%dma_wait3A_377, %dma_wait3A_378, %dma_wait3A_379] : memref<4x9509x1024xf32, #tpu.memory_space<any>> -> memref<1x5x1024xf32, #tpu.memory_space<any>>
    %dma_wait3A_381 = tpu.memref_squeeze %dma_wait3A_380 : memref<1x5x1024xf32, #tpu.memory_space<any>> -> memref<5x1024xf32, #tpu.memory_space<any>>
    %dma_wait3A_382 = arith.constant 0 : i32
    %dma_wait3A_383 = arith.constant 0 : i32
    %dma_wait3A_384 = tpu.memref_slice %arg10[%dma_wait3A_376, %dma_wait3A_382, %dma_wait3A_383] : memref<4x5x1024xf32, #tpu.memory_space<vmem>> -> memref<1x5x1024xf32, #tpu.memory_space<vmem>>
    %dma_wait3A_385 = tpu.memref_squeeze %dma_wait3A_384 : memref<1x5x1024xf32, #tpu.memory_space<vmem>> -> memref<5x1024xf32, #tpu.memory_space<vmem>>
    tpu.wait_dma2 semaphore(%arg18 : memref<!tpu.dma_semaphore, #tpu.memory_space<semaphore_mem>>) src(%dma_wait3A_385 : memref<5x1024xf32, #tpu.memory_space<vmem>>) dst(%dma_wait3A_381 : memref<5x1024xf32, #tpu.memory_space<any>>)
    %dma_wait3A_386 = arith.constant 0 : i32
    %dma_wait3A_387 = arith.constant 2 : i32
    %dma_wait3A_388 = arith.constant 0 : i32
    %dma_wait3A_389 = tpu.memref_slice %arg16[%dma_wait3A_388] : memref<2x!tpu.dma_semaphore, #tpu.memory_space<semaphore_mem>> -> memref<1x!tpu.dma_semaphore, #tpu.memory_space<semaphore_mem>>
    %dma_wait3A_390 = tpu.memref_squeeze %dma_wait3A_389 : memref<1x!tpu.dma_semaphore, #tpu.memory_space<semaphore_mem>> -> memref<!tpu.dma_semaphore, #tpu.memory_space<semaphore_mem>>
    %dma_wait3A_391 = arith.constant 8224 : i32
    %dma_wait3A_392 = arith.constant 0 : i32
    %dma_wait3A_393 = tpu.memref_slice %arg4[%dma_wait3A_387, %dma_wait3A_391, %dma_wait3A_392] : memref<4x9509x1024xf32, #tpu.memory_space<any>> -> memref<1x1280x1024xf32, #tpu.memory_space<any>>
    %dma_wait3A_394 = tpu.memref_squeeze %dma_wait3A_393 : memref<1x1280x1024xf32, #tpu.memory_space<any>> -> memref<1280x1024xf32, #tpu.memory_space<any>>
    %dma_wait3A_395 = arith.constant 0 : i32
    %dma_wait3A_396 = arith.constant 0 : i32
    %dma_wait3A_397 = tpu.memref_slice %arg7[%dma_wait3A_386, %dma_wait3A_395, %dma_wait3A_396] : memref<2x2056x1024xf32, #tpu.memory_space<vmem>> -> memref<1x1280x1024xf32, #tpu.memory_space<vmem>>
    %dma_wait3A_398 = tpu.memref_squeeze %dma_wait3A_397 : memref<1x1280x1024xf32, #tpu.memory_space<vmem>> -> memref<1280x1024xf32, #tpu.memory_space<vmem>>
    tpu.wait_dma2 semaphore(%dma_wait3A_390 : memref<!tpu.dma_semaphore, #tpu.memory_space<semaphore_mem>>) src(%dma_wait3A_398 : memref<1280x1024xf32, #tpu.memory_space<vmem>>) dst(%dma_wait3A_394 : memref<1280x1024xf32, #tpu.memory_space<any>>)
    %dma_wait3A_399 = arith.constant 1 : i32
    %dma_wait3A_400 = arith.constant 3 : i32
    %dma_wait3A_401 = arith.constant 1 : i32
    %dma_wait3A_402 = tpu.memref_slice %arg16[%dma_wait3A_401] : memref<2x!tpu.dma_semaphore, #tpu.memory_space<semaphore_mem>> -> memref<1x!tpu.dma_semaphore, #tpu.memory_space<semaphore_mem>>
    %dma_wait3A_403 = tpu.memref_squeeze %dma_wait3A_402 : memref<1x!tpu.dma_semaphore, #tpu.memory_space<semaphore_mem>> -> memref<!tpu.dma_semaphore, #tpu.memory_space<semaphore_mem>>
    %dma_wait3A_404 = arith.constant 8224 : i32
    %dma_wait3A_405 = arith.constant 0 : i32
    %dma_wait3A_406 = tpu.memref_slice %arg4[%dma_wait3A_400, %dma_wait3A_404, %dma_wait3A_405] : memref<4x9509x1024xf32, #tpu.memory_space<any>> -> memref<1x1280x1024xf32, #tpu.memory_space<any>>
    %dma_wait3A_407 = tpu.memref_squeeze %dma_wait3A_406 : memref<1x1280x1024xf32, #tpu.memory_space<any>> -> memref<1280x1024xf32, #tpu.memory_space<any>>
    %dma_wait3A_408 = arith.constant 0 : i32
    %dma_wait3A_409 = arith.constant 0 : i32
    %dma_wait3A_410 = tpu.memref_slice %arg7[%dma_wait3A_399, %dma_wait3A_408, %dma_wait3A_409] : memref<2x2056x1024xf32, #tpu.memory_space<vmem>> -> memref<1x1280x1024xf32, #tpu.memory_space<vmem>>
    %dma_wait3A_411 = tpu.memref_squeeze %dma_wait3A_410 : memref<1x1280x1024xf32, #tpu.memory_space<vmem>> -> memref<1280x1024xf32, #tpu.memory_space<vmem>>
    tpu.wait_dma2 semaphore(%dma_wait3A_403 : memref<!tpu.dma_semaphore, #tpu.memory_space<semaphore_mem>>) src(%dma_wait3A_411 : memref<1280x1024xf32, #tpu.memory_space<vmem>>) dst(%dma_wait3A_407 : memref<1280x1024xf32, #tpu.memory_space<any>>)
    return
  }
}

</mosaic_0001>

<sc_bundles>
// kernel: sparse-core-data-format-call.cloned.1.call-start
scs
called_computation_lowered:
.L_overlay_start_0:
0x0: {  	s2 =	sld [smem:$0x3FD9]  }
0x1: {  	s3 =	sld [smem:$0x3FFE];
	_ =	sdelay $0x1  }
0x2: {  	s1 =	srdreg.scid  }
0x3: {  	s0 =	sand.u32 $0x1, s1  }
0x4: {  	s19 =	sshll.u32 s0, $0xA;
	s2 =	sadd.s32 s3, s2  }
0x5: {  	s2 =	sadd.s32 s2, s19  }
0x6: {  	[smem:$0x3FC4] =	sst s2  }
0x7: {  	_ = 	snop  }
0x8: {  	s2 =	sld [smem:$0x3FC8]  }
0x9: {  	s20 =	sld [smem:$0x3FD0];
	(tm) =	ssettm $0x1  }
0xa: {  	s4 =	sld [smem:$0x3FFB];
	_ =	sdelay $0x3  }
0xb: {  	_ =	strace s4  }
0xc: {  	s4 =	sld [smem:$0x3FFC];
	_ =	sdelay $0x3  }
0xd: {  	_ =	strace s4  }
0xe: {  	s4 =	sld [smem:$0x3FFD];
	_ =	sdelay $0x3  }
0xf: {  	_ =	strace s4  }
0x10: {  	_ =	strace $0x8FFFFFFF  }
0x11: {  	s21 =	sld [smem:$0x3FDB];
	_ =	sdelay $0x1  }
0x12: {  	s5 =	simm.s32 $_scs_section_size  }
0x13: {  	s6 =	simm.s32 $_size__tile_overlayer_lowered;
	s7 =	simm.s32 $_tile_overlayer_lowered  }
0x14: {  	s24 =	simm.s32 $0x1BFF;
	s23 =	sshll.u32 s7, $0x1;
	s4 =	sadd.s32 s5, s21  }
0x15: {  	s8 =	simm.s32 $0x0;
	s22 =	sshll.u32 s6, $0x1;
	s6 =	sadd.s32 s23, s4  }
0x16: {  	[timem:s8], [sflag:s24] =	dma.local [hbm:s6], s22  }
0x17: {  	_ =	swait.ge [sflag:s24], s22  }
0x18: {  	s5 =	ssub.s32 $0x0, s22;
	[sflag:s24] =	ssyncset.done $0x0  }
0x19: {  	[sflag:s24] =	ssyncadd.s32 s5;
	_ =	sdelay $0x1  }
0x1a: {  	s25 =	simm.s32 $0x1B8B  }
0x1b: {  	_ =	swait.ge [sflag:s25], $0x1  }
0x1c: {  	[sflag:s25] =	ssyncset.done $0x0  }
0x1d: {  	s26 =	simm.s32 $0x1B8E;
	[sflag:s25] =	ssyncadd.s32 $0xFFFFFFFF  }
0x1e: {  	s27 =	simm.s32 $execute0_lowered;
	[smem:$0x3FD2] =	sst s26  }
0x1f: {  	s5 =	sshll.u32 s27, $0x1;
	_ =	strace $0x80000046;
	[dreg:$0x1] =	wrdreg $0xFFFFFFFF  }
0x20: {  	s28 =	simm.s32 $_size_execute0_lowered;
	s4 =	sadd.s32 s4, s5;
	[dreg:$0x0] =	wrdreg $0x0  }
0x21: {  	s5 =	sshll.u32 s28, $0x1;
	[dreg:$0x2] =	wrdreg s4  }
0x22: {  	[dreg:$0x3] =	wrdreg s5  }
0x23: {  	[dreg:$0x4] =	wrdreg $0xC0  }
0x24: {  	_ =	task [dreg:s8], $0x5FFFF  }
0x25: {  	[dreg:$0x1] =	wrdreg $0xFFFFFFFF  }
0x26: {  	[dreg:$0x0] =	wrdreg $0x60  }
0x27: {  	[dreg:$0x2] =	wrdreg s2  }
0x28: {  	[dreg:$0x3] =	wrdreg s20  }
0x29: {  	[dreg:$0x4] =	wrdreg $0x9  }
0x2a: {  	_ =	task.clear_ibuf [dreg:s8], $0x5FFFF;
	_ =	strace $0x90000046  }
0x2b: {  	s29 =	simm.s32 $0x9;
	_ =	strace $0x80000048  }
0x2c: {  	_ =	swait.ge [sflag:s29], $0x1  }
0x2d: {  	[sflag:s29] =	ssyncadd.s32 $0xFFFFFFFF  }
0x2e: {  	_ =	strace $0x90000048  }
0x2f: {  	_ =	sfence  }
0x30: {  	s30 =	sld [smem:$0x0];
	_ =	sdelay $0x2  }
0x31: {  	s31 =	sshll.u32 s1, $0xD;
	s1 =	sshrl.u32 s1, $0x2  }
0x32: {  	s3 =	sand.u32 $0x4000, s31;
	s1 =	sadd.s32 s1, s30  }
0x33: {  	s0 =	sor.u32 s3, s0;
	s1 =	sshll.u32 s1, $0x11  }
0x34: {  	s0 =	sor.u32 s1, s0  }
0x35: {  	s0 =	sadd.s32 $0x8F2B, s0  }
0x36: {  	[sflag:s0] =	ssyncadd.remote.s32 $0x1  }
0x37: {  	_ =	sfence.sel $0xFFFF  }
0x38: {  	[dreg:$0x0] =	wrdreg $0xFFFFFFFF;
	(pc) =	sbr.abs _section_cstart, $3  }
0x39: {  	[dreg:$0x1] =	wrdreg $0xFFFFFFFF  }
0x3a: {  	_ =	task.clear_ibuf [dreg:s8], $0x2FFFF;
	_ =	strace $0x9FFFFFFF  }
0x3b: {  	(tm) =	ssettm $0x7FFFFFFF  }
tec
execute0_lowered:
.L_overlay_start_1:
0x0: {  	(tag) =	ssettag $0x1  }
0x1: {  	s0 =	srdreg.scid;
	s2 =	rddreg [dreg:$0x0]  }
0x2: {  	s3 =	rddreg [dreg:$0x1];
	s5 =	simm.s32 $0x1;
	s1 =	sshll.u32 s0, $0x4  }
0x3: {  	s7 =	simm.s32 $0x2;
	s0 =	stileid.u32;
	s1 =	sand.u32 $0x10, s1  }
.Ltmp0:
0x4: {  	s8 =	simm.s32 $0x0;
	s4 =	sor.u32 s0, s1;
	(pc) =	sbr.rel .LBB1_1-.Ltmp0, $4  }
0x5: {  	s12 =	simm.s32 $0x0;
	s10 =	simm.s32 $0x0;
	s4 =	sshll.u32 s4, $0x4  }
0x6: {  	s1 =	rddreg [dreg:$0x2];
	_ =	strace $0x80000047;
	s6 =	ssub.s32 $0x2520, s4  }
0x7: {  	s11 =	simm.s32 $0x0;
	[sflag:s5] =	ssyncpa.u1 $0x0;
	s6 =	sshrl.u32 s6, $0x9  }
0x8: {  	[sflag:s7] =	ssyncpa.u1 $0x0;
	s9 =	smov.u32 s4;
	s7 =	sadd.s32 $0x2, s6  }
.LBB1_7:
0x9: {  	s15 =	sand.u32 $0x3FFFF8, s10  }
0xa: {  	p0 =	sgt.s32 s10, $0x2518;
	s17 =	smov.u32 s10;
	s16 =	smulhi.u32 $0xDC797, s15  }
0xb: {  	s17 =	simm.s32 @!p0 $0x2518  }
0xc: {  	s13 =	sadd.s32 s13, s17;
	s16 =	sshrl.u32 s16, $0x1  }
0xd: {  	s29 =	sshll.u32 s10, $0x4;
	s13 =	sadd.s32 $0xFFFFDAE8, s13;
	s16 =	smul.u32 $0x2528, s16  }
0xe: {  	s31 =	sand.u32 $0x70, s29;
	s28 =	sshll.u32 s13, $0xC  }
0xf: {  	p0 =	sgt.s32 s13, $0xF;
	s30 =	ssub.s32 $0x10000, s28;
	s15 =	ssub.s32 s15, s16  }
0x10: {  	s13 =	sshrl.u32 s30, $0x2;
	s16 =	sadd.s32 s3, s31;
	s15 =	sshll.u32 s15, $0x7  }
0x11: {  	s13 =	simm.s32 @p0 $0x0;
	s15 =	sadd.s32 s15, s16  }
0x12: {  	[hbm4b:s15+s8] =	stream.linear.scatter [tilespmem:s14], [sflag:$0x2], s13, $0x38;
	[tilespmem:$0x10000] =	vst v63  }
.LBB1_8:
0x13: {  	p0 =	slt.u32 s11, $0x2  }
0x14: {  	p1 =	sgt.s32 @!p0 s12, $0x2518  }
0x15: {  	s13 =	smov.u32 s12;
	s14 =	sshra.s32 @!p0 s12, $0x1F;
	p1 =	por !p1, p0  }
0x16: {  	s12 =	sand.u32 @!p0 s14, s12;
	s13 =	simm.s32 @p1 $0x2518  }
0x17: {  	s12 =	ssub.s32 @!p0 s13, s12  }
0x18: {  	s12 =	sadd.s32 @!p0 $0xFFFFDAE8, s12  }
0x19: {  	s13 =	sshll.u32 @!p0 s12, $0xC  }
0x1a: {  	p1 =	sgt.s32 @!p0 s12, $0xF;
	s12 =	ssub.s32 @!p0 $0x10000, s13  }
0x1b: {  	s14 =	sadd.s32 $0x200, s9;
	p1 =	por !p1, p0;
	s12 =	sshrl.u32 @!p0 s12, $0x2  }
0x1c: {  	s12 =	simm.s32 @!p1 $0x0;
	p1 =	sgt.s32 s14, $0x2524  }
0x1d: {  	s14 =	smov.u32 @p1 s4;
	p1 =	sne.s32 s11, s7  }
.Ltmp1:
0x1e: {  	_ = 	snop;
	(pc) =	sbr.rel @!p1 .LBB1_9-.Ltmp1, $4  }
0x1f: {  	s13 =	simm.s32 @!p0 $0x2  }
0x20: {  	_ =	swait.ge @!p0 [sflag:s13], s12;
	s15 =	ssub.s32 @!p0 $0x0, s12  }
0x21: {  	s12 =	smov.u32 s10;
	s11 =	sadd.s32 $0x1, s11;
	[sflag:s13] =	ssyncset.done @!p0 $0x0  }
0x22: {  	s10 =	smov.u32 s9;
	s9 =	smov.u32 s14;
	[sflag:s13] =	ssyncadd.s32 @!p0 s15  }
.LBB1_1:
0x23: {  	p0 =	sgt.u32 s11, s6  }
0x24: {  	p1 =	sgt.s32 @!p0 s9, $0x2515  }
0x25: {  	s13 =	smov.u32 s9;
	s14 =	sshra.s32 @!p0 s9, $0x1F;
	p1 =	por !p1, p0  }
0x26: {  	s14 =	sand.u32 @!p0 s14, s9;
	s13 =	simm.s32 @p1 $0x2515  }
0x27: {  	s13 =	ssub.s32 @!p0 s13, s14  }
0x28: {  	s13 =	sadd.s32 @!p0 $0xFFFFDAEB, s13  }
0x29: {  	s16 =	simm.s32 @!p0 $0x0;
	s14 =	sxor.u32 @!p0 $0xFFFFFFFF, s11;
	s15 =	sshll.u32 @!p0 s13, $0xC  }
0x2a: {  	s14 =	sshll.u32 @!p0 s14, $0xE;
	p1 =	sgt.s32 @!p0 s13, $0xF;
	s13 =	ssub.s32 @!p0 $0x10000, s15  }
0x2b: {  	p1 =	por !p1, p0;
	s15 =	sshll.u32 @!p0 s9, $0x7;
	s13 =	sshrl.u32 @!p0 s13, $0x2  }
0x2c: {  	s14 =	sand.u32 @!p0 $0x4000, s14;
	s15 =	sadd.s32 @!p0 s2, s15;
	s13 =	simm.s32 @!p1 $0x0  }
0x2d: {  	[tilespmem:s14], [sflag:$0x1] =	stream.linear.gather @!p0 [hbm4b:s15+s16], s13, $0x38;
	[tilespmem:$0x10000] =	vst v63  }
0x2e: {  	p0 =	seq.s32 s11, $0x0  }
0x2f: {  	p1 =	sge.u32 @!p0 s11, s7  }
0x30: {  	p0 =	por p0, p1  }
.Ltmp2:
0x31: {  	_ = 	snop;
	(pc) =	sbr.rel @p0 .LBB1_8-.Ltmp2, $1  }
0x32: {  	_ =	sdelay $0x3  }
0x33: {  	s13 =	ssub.s32 $0x0, s10  }
0x34: {  	s14 =	sshra.s32 s10, $0x1F;
	p0 =	sgt.s32 s10, $0x2515;
	s15 =	smov.u32 s10  }
0x35: {  	s13 =	sand.u32 s13, s14;
	s15 =	simm.s32 @!p0 $0x2515  }
0x36: {  	s14 =	sadd.s32 s13, s15  }
0x37: {  	s14 =	sadd.s32 $0xFFFFDAEB, s14  }
0x38: {  	s30 =	sshll.u32 s14, $0xC  }
0x39: {  	s15 =	ssub.s32 $0x10000, s30  }
0x3a: {  	p0 =	sgt.s32 s14, $0xF;
	s14 =	sshrl.u32 s15, $0x2;
	s15 =	sadd.s32 $0x10, s10  }
0x3b: {  	s14 =	simm.s32 @p0 $0x0;
	p0 =	slt.s32 s15, $0x2525  }
0x3c: {  	s15 =	simm.s32 @!p0 $0x2525  }
0x3d: {  	s15 =	ssub.s32 s15, s10  }
0x3e: {  	p0 =	slt.s32 s15, $0x1  }
.Ltmp3:
0x3f: {  	_ = 	snop;
	(pc) =	sbr.rel @p0 .LBB1_7-.Ltmp3, $4  }
0x40: {  	_ = 	snop  }
0x41: {  	s31 =	sshll.u32 s11, $0xE;
	_ =	swait.ge [sflag:s5], s14  }
0x42: {  	s16 =	sand.u32 $0x4000, s31;
	s17 =	ssub.s32 $0x0, s14;
	[sflag:s5] =	ssyncset.done $0x0  }
0x43: {  	s14 =	sor.u32 $0x8000, s16;
	[sflag:s5] =	ssyncadd.s32 s17  }
0x44: {  	s17 =	simm.s32 $0x0  }
.LBB1_4:
0x45: {  	s18 =	sshll.u32 s17, $0xA  }
0x46: {  	s19 =	sand.u32 $0x2000, s18;
	s18 =	sadd.s32 s18, s16  }
0x47: {  	v0 =	vmov s18  }
0x48: {  	s20 =	sshll.u32 s17, $0x7  }
0x49: {  	s20 =	sand.u32 $0x380, s20;
	s19 =	sadd.s32 s19, s14  }
0x4a: {  	s19 =	sadd.s32 s20, s19  }
0x4b: {  	p0 =	por $0x1, $0x1;
	s18 =	simm.s32 $0x0;
	v1 =	vmov s19  }
.LBB1_5:
0x4c: {  	v2 =	vld.idx.msk [tilespmem:v0+s18+$0x0 ss:$0x1], $0xffff  }
0x4d: {  	v3 =	vld.idx.msk [tilespmem:v0+s18+$0x10 ss:$0x1], $0xffff  }
0x4e: {  	v4 =	vld.idx.msk [tilespmem:v0+s18+$0x20 ss:$0x1], $0xffff  }
0x4f: {  	s19 =	sshll.u32 s18, $0x3;
	v5 =	vld.idx.msk [tilespmem:v0+s18+$0x30 ss:$0x1], $0xffff;
	s20 =	sshrl.u32 s18, $0x7  }
0x50: {  	v6 =	vld.idx.msk [tilespmem:v0+s18+$0x40 ss:$0x1], $0xffff;
	s19 =	sand.u32 $0x3FFFFFF8, s19;
	s21 =	sor.u32 $0x1, s20  }
0x51: {  	v49 =	vld.idx.msk [tilespmem:v0+s18+$0x70 ss:$0x1], $0xffff;
	s22 =	sshll.u32 s21, $0x7;
	[tilespmem:v1+s19+$0x0 ss:$0x1] =	vst.idx.msk $0xffff, v2  }
0x52: {  	s23 =	sand.u32 $0x3FFFFF80, s22;
	v2 =	vld.idx.msk [tilespmem:v0+s18+$0x50 ss:$0x1], $0xffff;
	[tilespmem:v1+s19+$0x10 ss:$0x1] =	vst.idx.msk $0xffff, v3  }
0x53: {  	v50 =	vld.idx.msk [tilespmem:v0+s23+$0x0 ss:$0x1], $0xffff;
	[tilespmem:v1+s19+$0x20 ss:$0x1] =	vst.idx.msk $0xffff, v4  }
0x54: {  	v51 =	vld.idx.msk [tilespmem:v0+s23+$0x10 ss:$0x1], $0xffff;
	[tilespmem:v1+s19+$0x30 ss:$0x1] =	vst.idx.msk $0xffff, v5  }
0x55: {  	v52 =	vld.idx.msk [tilespmem:v0+s23+$0x40 ss:$0x1], $0xffff;
	[tilespmem:v1+s19+$0x40 ss:$0x1] =	vst.idx.msk $0xffff, v6  }
0x56: {  	s21 =	sshll.u32 s21, $0xA;
	v3 =	vld.idx.msk [tilespmem:v0+s18+$0x60 ss:$0x1], $0xffff;
	[tilespmem:v1+s19+$0x70 ss:$0x1] =	vst.idx.msk $0xffff, v49  }
0x57: {  	s24 =	sand.u32 $0x3FFFFC00, s21;
	[tilespmem:v1+s19+$0x50 ss:$0x1] =	vst.idx.msk $0xffff, v2;
	v2 =	vld.idx.msk [tilespmem:v0+s23+$0x20 ss:$0x1], $0xffff  }
0x58: {  	v53 =	vld.idx.msk [tilespmem:v0+s23+$0x50 ss:$0x1], $0xffff;
	[tilespmem:v1+s24+$0x0 ss:$0x1] =	vst.idx.msk $0xffff, v50  }
0x59: {  	s25 =	sor.u32 $0x2, s20;
	v54 =	vld.idx.msk [tilespmem:v0+s23+$0x60 ss:$0x1], $0xffff;
	[tilespmem:v1+s24+$0x10 ss:$0x1] =	vst.idx.msk $0xffff, v51  }
0x5a: {  	s26 =	sshll.u32 s25, $0x7;
	v7 =	vld.idx.msk [tilespmem:v0+s23+$0x70 ss:$0x1], $0xffff;
	[tilespmem:v1+s24+$0x40 ss:$0x1] =	vst.idx.msk $0xffff, v52  }
0x5b: {  	s27 =	sand.u32 $0x3FFFFF80, s26;
	[tilespmem:v1+s19+$0x60 ss:$0x1] =	vst.idx.msk $0xffff, v3;
	v3 =	vld.idx.msk [tilespmem:v0+s23+$0x30 ss:$0x1], $0xffff  }
0x5c: {  	[tilespmem:v1+s24+$0x20 ss:$0x1] =	vst.idx.msk $0xffff, v2;
	v2 =	vld.idx.msk [tilespmem:v0+s27+$0x0 ss:$0x1], $0xffff  }
0x5d: {  	v55 =	vld.idx.msk [tilespmem:v0+s27+$0x20 ss:$0x1], $0xffff;
	[tilespmem:v1+s24+$0x50 ss:$0x1] =	vst.idx.msk $0xffff, v53  }
0x5e: {  	v56 =	vld.idx.msk [tilespmem:v0+s27+$0x30 ss:$0x1], $0xffff;
	[tilespmem:v1+s24+$0x60 ss:$0x1] =	vst.idx.msk $0xffff, v54  }
0x5f: {  	s21 =	sshll.u32 s25, $0xA;
	v57 =	vld.idx.msk [tilespmem:v0+s27+$0x40 ss:$0x1], $0xffff;
	[tilespmem:v1+s24+$0x70 ss:$0x1] =	vst.idx.msk $0xffff, v7  }
0x60: {  	s20 =	sor.u32 $0x3, s20;
	s28 =	sand.u32 $0x3FFFFC00, s21;
	[tilespmem:v1+s24+$0x30 ss:$0x1] =	vst.idx.msk $0xffff, v3;
	v3 =	vld.idx.msk [tilespmem:v0+s27+$0x10 ss:$0x1], $0xffff  }
0x61: {  	s29 =	sshll.u32 s20, $0x7;
	[tilespmem:v1+s28+$0x0 ss:$0x1] =	vst.idx.msk $0xffff, v2;
	v2 =	vld.idx.msk [tilespmem:v0+s27+$0x50 ss:$0x1], $0xffff  }
0x62: {  	s30 =	sand.u32 $0x3FFFFF80, s29;
	v58 =	vld.idx.msk [tilespmem:v0+s27+$0x70 ss:$0x1], $0xffff;
	[tilespmem:v1+s28+$0x20 ss:$0x1] =	vst.idx.msk $0xffff, v55  }
0x63: {  	v59 =	vld.idx.msk [tilespmem:v0+s30+$0x0 ss:$0x1], $0xffff;
	[tilespmem:v1+s28+$0x30 ss:$0x1] =	vst.idx.msk $0xffff, v56  }
0x64: {  	v60 =	vld.idx.msk [tilespmem:v0+s30+$0x10 ss:$0x1], $0xffff;
	[tilespmem:v1+s28+$0x40 ss:$0x1] =	vst.idx.msk $0xffff, v57  }
0x65: {  	[tilespmem:v1+s28+$0x10 ss:$0x1] =	vst.idx.msk $0xffff, v3;
	v3 =	vld.idx.msk [tilespmem:v0+s27+$0x60 ss:$0x1], $0xffff  }
0x66: {  	s20 =	sshll.u32 s20, $0xA;
	[tilespmem:v1+s28+$0x50 ss:$0x1] =	vst.idx.msk $0xffff, v2;
	v2 =	vld.idx.msk [tilespmem:v0+s30+$0x20 ss:$0x1], $0xffff  }
0x67: {  	s31 =	sand.u32 $0x3FFFFC00, s20;
	v61 =	vld.idx.msk [tilespmem:v0+s30+$0x40 ss:$0x1], $0xffff;
	[tilespmem:v1+s28+$0x70 ss:$0x1] =	vst.idx.msk $0xffff, v58  }
0x68: {  	v62 =	vld.idx.msk [tilespmem:v0+s30+$0x50 ss:$0x1], $0xffff;
	[tilespmem:v1+s31+$0x0 ss:$0x1] =	vst.idx.msk $0xffff, v59  }
0x69: {  	v63 =	vld.idx.msk [tilespmem:v0+s30+$0x60 ss:$0x1], $0xffff;
	[tilespmem:v1+s31+$0x10 ss:$0x1] =	vst.idx.msk $0xffff, v60  }
0x6a: {  	[tilespmem:v1+s28+$0x60 ss:$0x1] =	vst.idx.msk $0xffff, v3;
	v3 =	vld.idx.msk [tilespmem:v0+s30+$0x30 ss:$0x1], $0xffff  }
0x6b: {  	p1 =	por p0, p0;
	[tilespmem:v1+s31+$0x20 ss:$0x1] =	vst.idx.msk $0xffff, v2;
	v2 =	vld.idx.msk [tilespmem:v0+s30+$0x70 ss:$0x1], $0xffff  }
.Ltmp4:
0x6c: {  	[tilespmem:v1+s31+$0x40 ss:$0x1] =	vst.idx.msk $0xffff, v61;
	(pc) =	sbr.rel @p1 .LBB1_5-.Ltmp4, $4  }
0x6d: {  	[tilespmem:v1+s31+$0x50 ss:$0x1] =	vst.idx.msk $0xffff, v62  }
0x6e: {  	[tilespmem:v1+s31+$0x60 ss:$0x1] =	vst.idx.msk $0xffff, v63  }
0x6f: {  	[tilespmem:v1+s31+$0x30 ss:$0x1] =	vst.idx.msk $0xffff, v3  }
0x70: {  	p0 =	por $0x0, $0x0;
	s18 =	simm.s32 $0x200;
	[tilespmem:v1+s31+$0x70 ss:$0x1] =	vst.idx.msk $0xffff, v2  }
0x71: {  	s17 =	sadd.s32 $0x1, s17  }
0x72: {  	p0 =	sne.s32 s17, s15  }
.Ltmp5:
0x73: {  	_ = 	snop;
	(pc) =	sbr.rel @p0 .LBB1_4-.Ltmp5, $4  }
.Ltmp6:
0x74: {  	_ = 	snop;
	(pc) =	sbr.rel @!p0 .LBB1_7-.Ltmp6, $4  }
0x75: {  	_ = 	snop  }
0x76: {  	_ = 	snop  }
0x77: {  	_ = 	snop  }
0x78: {  	_ = 	snop  }
.LBB1_9:
0x79: {  	_ =	sfence.sel $0x180000  }
0x7a: {  	s2 =	simm.s32 $0x1;
	[bflag:$0x0] =	sbarrier.arrive $0xFFFF  }
0x7b: {  	s31 =	simm.s32 $0x2;
	[sflag:s2] =	ssyncpa.u1 $0x1  }
0x7c: {  	[sflag:s31] =	ssyncpa.u1 $0x1  }
0x7d: {  	p0 =	sne.s32 s0, $0x0;
	_ =	strace $0x90000047  }
0x7e: {  	s0 =	sadd.s32 @!p0 $0x100000, s1;
	[bflag:$0x2] =	sbarrier.arrive $0xFFFF  }
0x7f: {  	[sflag:s0] =	ssyncadd.tile.s32 @!p0 $0x1;
	_ =	shalt  }
.Lfunc_end1:
_tile_overlayer_lowered:
.L_overlay_start_2:
0x80: {  	(tag) =	ssettag $0x2  }
0x81: {  	s0 =	rddreg [dreg:$0x0];
	s2 =	stileid.u32  }
0x82: {  	s1 =	rddreg [dreg:$0x1];
	p0 =	sne.s32 s2, $0x0  }
0x83: {  	s3 =	rddreg [dreg:$0x2];
	[bflag:$0x3] =	sbarrier.arrive $0xFFFF;
	s2 =	simm.s32 @!p0 $0x1C01  }
0x84: {  	[timem:s3], [sflag:s2] =	dma.local @!p0 [hbm:s0], s1  }
0x85: {  	s0 =	simm.s32 @!p0 $0x1  }
0x86: {  	_ =	swait.ge @!p0 [sflag:s0], s1  }
0x87: {  	s1 =	ssub.s32 @!p0 $0x0, s1;
	[sflag:s0] =	ssyncset.done @!p0 $0x0  }
0x88: {  	[sflag:s0] =	ssyncadd.s32 @!p0 s1  }
0x89: {  	[bflag:$0x3] =	sbarrier.arrive $0xFFFF  }
0x8a: {  	_ =	shalt  }

</sc_bundles>
